<compile_context>
chip_gen: v7x
topology: tpu7x:2x2x1
jax: 0.10.2.dev20260603
libtpu: 0.0.44.dev20260713+nightly
codegen_flags: <defaults>
</compile_context>

<pallas_src>
import functools

import jax
import jax.numpy as jnp
from jax import lax
from jax.experimental import pallas as pl
from jax.experimental.pallas import tpu as pltpu
from jax.experimental.pallas import tpu_sc as plsc

RES = 256
GSZ = RES * RES * RES
N_PTS = 2097152
LANES = 16
BLK = 2048
NC = 2
NS = 16
NW = NC * NS
PW = N_PTS // NW
N_BLOCKS = PW // BLK
SUBV = BLK // LANES


def _tec_body(x_hbm, y_hbm, z_hbm, table_hbm, out_hbm, *s):
    bufs = (s[0:15], s[15:30])
    sems = (s[30], s[31])

    wid = lax.axis_index("s") * NC + lax.axis_index("c")

    def stage_a(b, buf, sem):
        (xv, yv, zv, fxv, fyv, fzv) = buf[0:6]
        idx_refs = buf[6:10]
        val_refs = buf[10:14]
        base = wid * PW + b * BLK
        pltpu.sync_copy(x_hbm.at[pl.ds(base, BLK)], xv)
        pltpu.sync_copy(y_hbm.at[pl.ds(base, BLK)], yv)
        pltpu.sync_copy(z_hbm.at[pl.ds(base, BLK)], zv)

        def pass1(j, c1):
            c = j * LANES
            x = xv[pl.ds(c, LANES)]
            y = yv[pl.ds(c, LANES)]
            z = zv[pl.ds(c, LANES)]
            fscale = jnp.float32(RES - 1)
            ix = (x + 1.0) * 0.5 * fscale
            iy = (y + 1.0) * 0.5 * fscale
            iz = (z + 1.0) * 0.5 * fscale
            xi = ix.astype(jnp.int32)
            yi = iy.astype(jnp.int32)
            zi = iz.astype(jnp.int32)
            fxv[pl.ds(c, LANES)] = ix - xi.astype(jnp.float32)
            fyv[pl.ds(c, LANES)] = iy - yi.astype(jnp.float32)
            fzv[pl.ds(c, LANES)] = iz - zi.astype(jnp.float32)
            fidx = (zi << 16) + (yi << 8) + xi
            idx_refs[0][pl.ds(c, LANES)] = fidx
            idx_refs[1][pl.ds(c, LANES)] = fidx + RES
            idx_refs[2][pl.ds(c, LANES)] = fidx + RES * RES
            idx_refs[3][pl.ds(c, LANES)] = fidx + (RES * RES + RES)
            return c1

        lax.fori_loop(0, SUBV, pass1, 0)
        for idx, val in zip(idx_refs, val_refs):
            pltpu.async_copy(table_hbm.at[idx], val, sem)

    def drain(buf, sem):
        idx_refs = buf[6:10]
        val_refs = buf[10:14]
        for idx, val in zip(idx_refs, val_refs):
            pltpu.make_async_copy(table_hbm.at[idx], val, sem).wait()

    def stage_b(b, buf):
        (fxv, fyv, fzv) = buf[3:6]
        val_refs = buf[10:14]
        outv = buf[14]

        def pass2(j, c2):
            c = j * LANES
            fx = fxv[pl.ds(c, LANES)]
            fy = fyv[pl.ds(c, LANES)]
            fz = fzv[pl.ds(c, LANES)]
            bx = []
            for k in range(4):
                u = val_refs[k][pl.ds(c, LANES)]
                ab = plsc.bitcast(u, jnp.bfloat16)
                v0, v1 = plsc.unpack(ab, format=plsc.PackFormat.INTERLEAVED)
                v0 = v0.astype(jnp.float32)
                v1 = v1.astype(jnp.float32)
                bx.append(v0 + fx * (v1 - v0))
            c0 = bx[0] + fy * (bx[1] - bx[0])
            c1 = bx[2] + fy * (bx[3] - bx[2])
            outv[pl.ds(c, LANES)] = c0 + fz * (c1 - c0)
            return c2

        lax.fori_loop(0, SUBV, pass2, 0)
        base = wid * PW + b * BLK
        pltpu.sync_copy(outv, out_hbm.at[pl.ds(base, BLK)])

    stage_a(0, bufs[0], sems[0])

    def pipe(i, carry):
        b0 = 2 * i
        stage_a(b0 + 1, bufs[1], sems[1])
        drain(bufs[0], sems[0])
        stage_b(b0, bufs[0])
        stage_a(lax.rem(b0 + 2, N_BLOCKS), bufs[0], sems[0])
        drain(bufs[1], sems[1])
        stage_b(b0 + 1, bufs[1])
        return carry

    lax.fori_loop(0, N_BLOCKS // 2, pipe, 0)
    drain(bufs[0], sems[0])


def _make_sc_call():
    mesh = plsc.VectorSubcoreMesh(core_axis_name="c", subcore_axis_name="s")
    tile_f = pltpu.VMEM((BLK,), jnp.float32)
    tile_i = pltpu.VMEM((BLK,), jnp.int32)
    one_set = [tile_f] * 6 + [tile_i] * 4 + [tile_i] * 4 + [tile_f]
    scratch = one_set * 2 + [pltpu.SemaphoreType.DMA] * 2
    return pl.kernel(
        _tec_body,
        out_type=jax.ShapeDtypeStruct((N_PTS,), jnp.float32),
        mesh=mesh,
        scratch_types=scratch,
        compiler_params=pltpu.CompilerParams(needs_layout_passes=False),
    )


_sc_call = _make_sc_call()


@jax.jit
def kernel(xyz_sampled, grid):
    pts = xyz_sampled.reshape(N_PTS, 3)
    g16 = grid.reshape(GSZ).astype(jnp.bfloat16)
    gs16 = jnp.concatenate([g16[1:], g16[:1]])
    lo = lax.bitcast_convert_type(g16, jnp.uint16).astype(jnp.uint32)
    hi = lax.bitcast_convert_type(gs16, jnp.uint16).astype(jnp.uint32)
    table = lax.bitcast_convert_type(lo | (hi << 16), jnp.int32)
    out = _sc_call(pts[:, 0], pts[:, 1], pts[:, 2], table)
    return out.reshape(N_PTS)

# --- scband reference (transcript-rebuilt; emitter-appended) ---
"""Pipeline reference for scband-regular-vol-44848048504944 (READ-ONLY COPY).

The authoritative reference and input builder live on the scoring server;
editing this copy changes nothing except your own understanding.
"""

import jax, jax.numpy as jnp
import numpy as np

RES = 256
N_PTS = 2097152


def grid_sample_3d(vol, coords):
    # vol: (B, C, D, H, W); coords: (B, Do, Ho, Wo, 3) with xyz in [-1, 1]
    # Faithful to torch.nn.functional.grid_sample(mode='bilinear',
    # padding_mode='zeros', align_corners=True)
    B, C, D, H, W = vol.shape
    Do, Ho, Wo = coords.shape[1], coords.shape[2], coords.shape[3]
    c = coords.reshape(B, -1, 3)
    ix = (c[..., 0] + 1.0) * 0.5 * (W - 1)
    iy = (c[..., 1] + 1.0) * 0.5 * (H - 1)
    iz = (c[..., 2] + 1.0) * 0.5 * (D - 1)
    x0 = jnp.floor(ix)
    y0 = jnp.floor(iy)
    z0 = jnp.floor(iz)
    x1 = x0 + 1.0
    y1 = y0 + 1.0
    z1 = z0 + 1.0
    wx1 = ix - x0
    wx0 = 1.0 - wx1
    wy1 = iy - y0
    wy0 = 1.0 - wy1
    wz1 = iz - z0
    wz0 = 1.0 - wz1
    vol_t = jnp.transpose(vol, (0, 2, 3, 4, 1))  # (B, D, H, W, C)
    bidx = jnp.arange(B)[:, None]

    def corner(zf, yf, xf, w):
        zi = zf.astype(jnp.int32)
        yi = yf.astype(jnp.int32)
        xi = xf.astype(jnp.int32)
        valid = ((xi >= 0) & (xi < W) & (yi >= 0) & (yi < H) & (zi >= 0) & (zi < D))
        zi = jnp.clip(zi, 0, D - 1)
        yi = jnp.clip(yi, 0, H - 1)
        xi = jnp.clip(xi, 0, W - 1)
        vals = vol_t[bidx, zi, yi, xi]  # (B, N, C) gather
        return vals * (w * valid.astype(vol.dtype))[..., None]

    out = (corner(z0, y0, x0, wz0 * wy0 * wx0)
           + corner(z0, y0, x1, wz0 * wy0 * wx1)
           + corner(z0, y1, x0, wz0 * wy1 * wx0)
           + corner(z0, y1, x1, wz0 * wy1 * wx1)
           + corner(z1, y0, x0, wz1 * wy0 * wx0)
           + corner(z1, y0, x1, wz1 * wy0 * wx1)
           + corner(z1, y1, x0, wz1 * wy1 * wx0)
           + corner(z1, y1, x1, wz1 * wy1 * wx1))
    out = out.reshape(B, Do, Ho, Wo, C)
    return jnp.transpose(out, (0, 4, 1, 2, 3))  # (B, C, Do, Ho, Wo)


def setup_inputs(seed: int = 0) -> dict:
    key = jax.random.key(seed)
    k1, k2 = jax.random.split(key)
    xyz_sampled = jax.random.uniform(k1, (1, 1, 1, N_PTS, 3), dtype=jnp.float32)
    grid = 0.1 * jax.random.uniform(k2, (1, RES, RES, RES), dtype=jnp.float32)
    return {"xyz_sampled": xyz_sampled, "grid": grid}


def reference(xyz_sampled, grid):
    B = xyz_sampled.shape[0]
    vol = jnp.broadcast_to(grid, (B, 1) + grid.shape[1:])  # expand(B,1,R,R,R)
    out = grid_sample_3d(vol, xyz_sampled)
    return jnp.squeeze(out)

if __name__ == "__main__":
    import jax
    _d = setup_inputs()
    print(jax.jit(kernel)(*tuple(_d.values())))

</pallas_src>

<mosaic_0001>
#map = affine_map<(d0, d1) -> (0)>
module attributes {stable_mosaic.version = 14 : i64} {
  func.func @_tec_body(%arg0: i32, %arg1: i32, %arg2: memref<2097152xf32, #tpu.memory_space<hbm>>, %arg3: memref<2097152xf32, #tpu.memory_space<hbm>>, %arg4: memref<2097152xf32, #tpu.memory_space<hbm>>, %arg5: memref<16777216xi32, #tpu.memory_space<hbm>>, %arg6: memref<2097152xf32, #tpu.memory_space<hbm>>, %arg7: memref<2048xf32, #tpu.memory_space<vmem>>, %arg8: memref<2048xf32, #tpu.memory_space<vmem>>, %arg9: memref<2048xf32, #tpu.memory_space<vmem>>, %arg10: memref<2048xf32, #tpu.memory_space<vmem>>, %arg11: memref<2048xf32, #tpu.memory_space<vmem>>, %arg12: memref<2048xf32, #tpu.memory_space<vmem>>, %arg13: memref<2048xi32, #tpu.memory_space<vmem>>, %arg14: memref<2048xi32, #tpu.memory_space<vmem>>, %arg15: memref<2048xi32, #tpu.memory_space<vmem>>, %arg16: memref<2048xi32, #tpu.memory_space<vmem>>, %arg17: memref<2048xi32, #tpu.memory_space<vmem>>, %arg18: memref<2048xi32, #tpu.memory_space<vmem>>, %arg19: memref<2048xi32, #tpu.memory_space<vmem>>, %arg20: memref<2048xi32, #tpu.memory_space<vmem>>, %arg21: memref<2048xf32, #tpu.memory_space<vmem>>, %arg22: memref<2048xf32, #tpu.memory_space<vmem>>, %arg23: memref<2048xf32, #tpu.memory_space<vmem>>, %arg24: memref<2048xf32, #tpu.memory_space<vmem>>, %arg25: memref<2048xf32, #tpu.memory_space<vmem>>, %arg26: memref<2048xf32, #tpu.memory_space<vmem>>, %arg27: memref<2048xf32, #tpu.memory_space<vmem>>, %arg28: memref<2048xi32, #tpu.memory_space<vmem>>, %arg29: memref<2048xi32, #tpu.memory_space<vmem>>, %arg30: memref<2048xi32, #tpu.memory_space<vmem>>, %arg31: memref<2048xi32, #tpu.memory_space<vmem>>, %arg32: memref<2048xi32, #tpu.memory_space<vmem>>, %arg33: memref<2048xi32, #tpu.memory_space<vmem>>, %arg34: memref<2048xi32, #tpu.memory_space<vmem>>, %arg35: memref<2048xi32, #tpu.memory_space<vmem>>, %arg36: memref<2048xf32, #tpu.memory_space<vmem>>, %arg37: memref<!tpu.dma_semaphore, #tpu.memory_space<semaphore_mem>>, %arg38: memref<!tpu.dma_semaphore, #tpu.memory_space<semaphore_mem>>) attributes {dimension_semantics = [#tpu.dimension_semantics<core_parallel>, #tpu.dimension_semantics<subcore_parallel>], iteration_bounds = array<i64: 2, 16>, scalar_prefetch = 0 : i64, scratch_operands = 32 : i64, tpu.core_type = #tpu.core_type<sc_vector_subcore>, window_params = [{transform_indices = #map}, {transform_indices = #map}, {transform_indices = #map}, {transform_indices = #map}, {transform_indices = #map}]} {
    %mul3A = arith.constant 2 : i32
    %mul3A_0 = arith.muli %arg1, %mul3A : i32
    %add3A = arith.addi %mul3A_0, %arg0 : i32
    %mul3A_1 = arith.constant 65536 : i32
    %mul3A_2 = arith.muli %add3A, %mul3A_1 : i32
    %add3A_3 = arith.constant 0 : i32
    %add3A_4 = arith.addi %mul3A_2, %add3A_3 : i32
    "tpu.region"() ({
      %run_scoped3A = tpu.sem_alloc : memref<!tpu.dma_semaphore, #tpu.memory_space<semaphore_mem>>
      %dma_start3A_30 = tpu.memref_slice %arg2[%add3A_4] : memref<2097152xf32, #tpu.memory_space<hbm>> -> memref<2048xf32, #tpu.memory_space<hbm>>
      %dma_start3A_31 = tpu.memref_slice %arg2[%add3A_4] : memref<2097152xf32, #tpu.memory_space<hbm>> -> memref<2048xf32, #tpu.memory_space<hbm>>
      tpu.enqueue_dma source(%dma_start3A_31 : memref<2048xf32, #tpu.memory_space<hbm>>) target(%arg7 : memref<2048xf32, #tpu.memory_space<vmem>>) target_semaphore(%run_scoped3A : memref<!tpu.dma_semaphore, #tpu.memory_space<semaphore_mem>>)
      %dma_wait3A_32 = tpu.memref_slice %arg2[%add3A_4] : memref<2097152xf32, #tpu.memory_space<hbm>> -> memref<2048xf32, #tpu.memory_space<hbm>>
      %dma_wait3A_33 = tpu.memref_slice %arg2[%add3A_4] : memref<2097152xf32, #tpu.memory_space<hbm>> -> memref<2048xf32, #tpu.memory_space<hbm>>
      tpu.wait_dma2 semaphore(%run_scoped3A : memref<!tpu.dma_semaphore, #tpu.memory_space<semaphore_mem>>) src(%dma_wait3A_33 : memref<2048xf32, #tpu.memory_space<hbm>>) dst(%arg7 : memref<2048xf32, #tpu.memory_space<vmem>>)
      tpu.yield
    }) : () -> ()
    "tpu.region"() ({
      %run_scoped3A = tpu.sem_alloc : memref<!tpu.dma_semaphore, #tpu.memory_space<semaphore_mem>>
      %dma_start3A_30 = tpu.memref_slice %arg3[%add3A_4] : memref<2097152xf32, #tpu.memory_space<hbm>> -> memref<2048xf32, #tpu.memory_space<hbm>>
      %dma_start3A_31 = tpu.memref_slice %arg3[%add3A_4] : memref<2097152xf32, #tpu.memory_space<hbm>> -> memref<2048xf32, #tpu.memory_space<hbm>>
      tpu.enqueue_dma source(%dma_start3A_31 : memref<2048xf32, #tpu.memory_space<hbm>>) target(%arg8 : memref<2048xf32, #tpu.memory_space<vmem>>) target_semaphore(%run_scoped3A : memref<!tpu.dma_semaphore, #tpu.memory_space<semaphore_mem>>)
      %dma_wait3A_32 = tpu.memref_slice %arg3[%add3A_4] : memref<2097152xf32, #tpu.memory_space<hbm>> -> memref<2048xf32, #tpu.memory_space<hbm>>
      %dma_wait3A_33 = tpu.memref_slice %arg3[%add3A_4] : memref<2097152xf32, #tpu.memory_space<hbm>> -> memref<2048xf32, #tpu.memory_space<hbm>>
      tpu.wait_dma2 semaphore(%run_scoped3A : memref<!tpu.dma_semaphore, #tpu.memory_space<semaphore_mem>>) src(%dma_wait3A_33 : memref<2048xf32, #tpu.memory_space<hbm>>) dst(%arg8 : memref<2048xf32, #tpu.memory_space<vmem>>)
      tpu.yield
    }) : () -> ()
    "tpu.region"() ({
      %run_scoped3A = tpu.sem_alloc : memref<!tpu.dma_semaphore, #tpu.memory_space<semaphore_mem>>
      %dma_start3A_30 = tpu.memref_slice %arg4[%add3A_4] : memref<2097152xf32, #tpu.memory_space<hbm>> -> memref<2048xf32, #tpu.memory_space<hbm>>
      %dma_start3A_31 = tpu.memref_slice %arg4[%add3A_4] : memref<2097152xf32, #tpu.memory_space<hbm>> -> memref<2048xf32, #tpu.memory_space<hbm>>
      tpu.enqueue_dma source(%dma_start3A_31 : memref<2048xf32, #tpu.memory_space<hbm>>) target(%arg9 : memref<2048xf32, #tpu.memory_space<vmem>>) target_semaphore(%run_scoped3A : memref<!tpu.dma_semaphore, #tpu.memory_space<semaphore_mem>>)
      %dma_wait3A_32 = tpu.memref_slice %arg4[%add3A_4] : memref<2097152xf32, #tpu.memory_space<hbm>> -> memref<2048xf32, #tpu.memory_space<hbm>>
      %dma_wait3A_33 = tpu.memref_slice %arg4[%add3A_4] : memref<2097152xf32, #tpu.memory_space<hbm>> -> memref<2048xf32, #tpu.memory_space<hbm>>
      tpu.wait_dma2 semaphore(%run_scoped3A : memref<!tpu.dma_semaphore, #tpu.memory_space<semaphore_mem>>) src(%dma_wait3A_33 : memref<2048xf32, #tpu.memory_space<hbm>>) dst(%arg9 : memref<2048xf32, #tpu.memory_space<vmem>>)
      tpu.yield
    }) : () -> ()
    %scan3A = arith.constant 0 : i32
    %scan3A_5 = arith.constant 0 : i32
    %scan3A_6 = arith.constant 128 : i32
    %scan3A_7 = arith.addi %scan3A_5, %scan3A_6 : i32
    %scan3A_8 = arith.constant 1 : i32
    scf.for %scan3A_30 = %scan3A_5 to %scan3A_7 step %scan3A_8  : i32 {
      %mul3A_31 = arith.constant 16 : i32
      %mul3A_32 = arith.muli %scan3A_30, %mul3A_31 : i32
      %get3A = arith.index_cast %mul3A_32 : i32 to index
      %get3A_33 = tpu.vector_load %arg7[%get3A] {strides = array<i32>} : memref<2048xf32, #tpu.memory_space<vmem>>, vector<16xf32>,
      %get3A_34 = arith.index_cast %mul3A_32 : i32 to index
      %get3A_35 = tpu.vector_load %arg8[%get3A_34] {strides = array<i32>} : memref<2048xf32, #tpu.memory_space<vmem>>, vector<16xf32>,
      %get3A_36 = arith.index_cast %mul3A_32 : i32 to index
      %get3A_37 = tpu.vector_load %arg9[%get3A_36] {strides = array<i32>} : memref<2048xf32, #tpu.memory_space<vmem>>, vector<16xf32>,
      %add3A_38 = arith.constant 1.000000e+00 : f32
      %add3A_39 = vector.broadcast %add3A_38 : f32 to vector<16xf32>
      %add3A_40 = arith.addf %get3A_33, %add3A_39 : vector<16xf32>
      %mul3A_41 = arith.constant 5.000000e-01 : f32
      %mul3A_42 = vector.broadcast %mul3A_41 : f32 to vector<16xf32>
      %mul3A_43 = arith.mulf %add3A_40, %mul3A_42 : vector<16xf32>
      %mul3A_44 = arith.constant 2.550000e+02 : f32
      %mul3A_45 = vector.broadcast %mul3A_44 : f32 to vector<16xf32>
      %mul3A_46 = arith.mulf %mul3A_43, %mul3A_45 : vector<16xf32>
      %add3A_47 = arith.constant 1.000000e+00 : f32
      %add3A_48 = vector.broadcast %add3A_47 : f32 to vector<16xf32>
      %add3A_49 = arith.addf %get3A_35, %add3A_48 : vector<16xf32>
      %mul3A_50 = arith.constant 5.000000e-01 : f32
      %mul3A_51 = vector.broadcast %mul3A_50 : f32 to vector<16xf32>
      %mul3A_52 = arith.mulf %add3A_49, %mul3A_51 : vector<16xf32>
      %mul3A_53 = arith.constant 2.550000e+02 : f32
      %mul3A_54 = vector.broadcast %mul3A_53 : f32 to vector<16xf32>
      %mul3A_55 = arith.mulf %mul3A_52, %mul3A_54 : vector<16xf32>
      %add3A_56 = arith.constant 1.000000e+00 : f32
      %add3A_57 = vector.broadcast %add3A_56 : f32 to vector<16xf32>
      %add3A_58 = arith.addf %get3A_37, %add3A_57 : vector<16xf32>
      %mul3A_59 = arith.constant 5.000000e-01 : f32
      %mul3A_60 = vector.broadcast %mul3A_59 : f32 to vector<16xf32>
      %mul3A_61 = arith.mulf %add3A_58, %mul3A_60 : vector<16xf32>
      %mul3A_62 = arith.constant 2.550000e+02 : f32
      %mul3A_63 = vector.broadcast %mul3A_62 : f32 to vector<16xf32>
      %mul3A_64 = arith.mulf %mul3A_61, %mul3A_63 : vector<16xf32>
      %convert_element_type3A = arith.fptosi %mul3A_46 : vector<16xf32> to vector<16xi32>
      %convert_element_type3A_65 = arith.fptosi %mul3A_55 : vector<16xf32> to vector<16xi32>
      %convert_element_type3A_66 = arith.fptosi %mul3A_64 : vector<16xf32> to vector<16xi32>
      %convert_element_type3A_67 = arith.sitofp %convert_element_type3A : vector<16xi32> to vector<16xf32>
      %sub3A = arith.subf %mul3A_46, %convert_element_type3A_67 : vector<16xf32>
      %swap3A = arith.index_cast %mul3A_32 : i32 to index
      %swap3A_68 = tpu.vector_load %arg10[%swap3A] {strides = array<i32>} : memref<2048xf32, #tpu.memory_space<vmem>>, vector<16xf32>,
      tpu.vector_store %arg10[%swap3A], %sub3A {strides = array<i32>} : memref<2048xf32, #tpu.memory_space<vmem>>, vector<16xf32>,
      %convert_element_type3A_69 = arith.sitofp %convert_element_type3A_65 : vector<16xi32> to vector<16xf32>
      %sub3A_70 = arith.subf %mul3A_55, %convert_element_type3A_69 : vector<16xf32>
      %swap3A_71 = arith.index_cast %mul3A_32 : i32 to index
      %swap3A_72 = tpu.vector_load %arg11[%swap3A_71] {strides = array<i32>} : memref<2048xf32, #tpu.memory_space<vmem>>, vector<16xf32>,
      tpu.vector_store %arg11[%swap3A_71], %sub3A_70 {strides = array<i32>} : memref<2048xf32, #tpu.memory_space<vmem>>, vector<16xf32>,
      %convert_element_type3A_73 = arith.sitofp %convert_element_type3A_66 : vector<16xi32> to vector<16xf32>
      %sub3A_74 = arith.subf %mul3A_64, %convert_element_type3A_73 : vector<16xf32>
      %swap3A_75 = arith.index_cast %mul3A_32 : i32 to index
      %swap3A_76 = tpu.vector_load %arg12[%swap3A_75] {strides = array<i32>} : memref<2048xf32, #tpu.memory_space<vmem>>, vector<16xf32>,
      tpu.vector_store %arg12[%swap3A_75], %sub3A_74 {strides = array<i32>} : memref<2048xf32, #tpu.memory_space<vmem>>, vector<16xf32>,
      %shift_left3A = arith.constant 16 : i32
      %shift_left3A_77 = vector.broadcast %shift_left3A : i32 to vector<16xi32>
      %shift_left3A_78 = arith.shli %convert_element_type3A_66, %shift_left3A_77 : vector<16xi32>
      %shift_left3A_79 = arith.constant 8 : i32
      %shift_left3A_80 = vector.broadcast %shift_left3A_79 : i32 to vector<16xi32>
      %shift_left3A_81 = arith.shli %convert_element_type3A_65, %shift_left3A_80 : vector<16xi32>
      %add3A_82 = arith.addi %shift_left3A_78, %shift_left3A_81 : vector<16xi32>
      %add3A_83 = arith.addi %add3A_82, %convert_element_type3A : vector<16xi32>
      %swap3A_84 = arith.index_cast %mul3A_32 : i32 to index
      %swap3A_85 = tpu.vector_load %arg13[%swap3A_84] {strides = array<i32>} : memref<2048xi32, #tpu.memory_space<vmem>>, vector<16xi32>,
      tpu.vector_store %arg13[%swap3A_84], %add3A_83 {strides = array<i32>} : memref<2048xi32, #tpu.memory_space<vmem>>, vector<16xi32>,
      %add3A_86 = arith.constant 256 : i32
      %add3A_87 = vector.broadcast %add3A_86 : i32 to vector<16xi32>
      %add3A_88 = arith.addi %add3A_83, %add3A_87 : vector<16xi32>
      %swap3A_89 = arith.index_cast %mul3A_32 : i32 to index
      %swap3A_90 = tpu.vector_load %arg14[%swap3A_89] {strides = array<i32>} : memref<2048xi32, #tpu.memory_space<vmem>>, vector<16xi32>,
      tpu.vector_store %arg14[%swap3A_89], %add3A_88 {strides = array<i32>} : memref<2048xi32, #tpu.memory_space<vmem>>, vector<16xi32>,
      %add3A_91 = arith.constant 65536 : i32
      %add3A_92 = vector.broadcast %add3A_91 : i32 to vector<16xi32>
      %add3A_93 = arith.addi %add3A_83, %add3A_92 : vector<16xi32>
      %swap3A_94 = arith.index_cast %mul3A_32 : i32 to index
      %swap3A_95 = tpu.vector_load %arg15[%swap3A_94] {strides = array<i32>} : memref<2048xi32, #tpu.memory_space<vmem>>, vector<16xi32>,
      tpu.vector_store %arg15[%swap3A_94], %add3A_93 {strides = array<i32>} : memref<2048xi32, #tpu.memory_space<vmem>>, vector<16xi32>,
      %add3A_96 = arith.constant 65792 : i32
      %add3A_97 = vector.broadcast %add3A_96 : i32 to vector<16xi32>
      %add3A_98 = arith.addi %add3A_83, %add3A_97 : vector<16xi32>
      %swap3A_99 = arith.index_cast %mul3A_32 : i32 to index
      %swap3A_100 = tpu.vector_load %arg16[%swap3A_99] {strides = array<i32>} : memref<2048xi32, #tpu.memory_space<vmem>>, vector<16xi32>,
      tpu.vector_store %arg16[%swap3A_99], %add3A_98 {strides = array<i32>} : memref<2048xi32, #tpu.memory_space<vmem>>, vector<16xi32>,
    }
    %scan3A_9 = arith.constant 128 : i32
    %dma_start3A = arith.constant 0 : i32
    %dma_start3A_10 = tpu.memref_slice %arg5[%dma_start3A] : memref<16777216xi32, #tpu.memory_space<hbm>> -> memref<16777216xi32, #tpu.memory_space<hbm>>
    tpu.enqueue_indirect_dma source(%dma_start3A_10 : memref<16777216xi32, #tpu.memory_space<hbm>>) target(%arg17 : memref<2048xi32, #tpu.memory_space<vmem>>) offsets(%arg13 : memref<2048xi32, #tpu.memory_space<vmem>>) semaphore(%arg37 : memref<!tpu.dma_semaphore, #tpu.memory_space<semaphore_mem>>)
    %dma_start3A_11 = arith.constant 0 : i32
    %dma_start3A_12 = tpu.memref_slice %arg5[%dma_start3A_11] : memref<16777216xi32, #tpu.memory_space<hbm>> -> memref<16777216xi32, #tpu.memory_space<hbm>>
    tpu.enqueue_indirect_dma source(%dma_start3A_12 : memref<16777216xi32, #tpu.memory_space<hbm>>) target(%arg18 : memref<2048xi32, #tpu.memory_space<vmem>>) offsets(%arg14 : memref<2048xi32, #tpu.memory_space<vmem>>) semaphore(%arg37 : memref<!tpu.dma_semaphore, #tpu.memory_space<semaphore_mem>>)
    %dma_start3A_13 = arith.constant 0 : i32
    %dma_start3A_14 = tpu.memref_slice %arg5[%dma_start3A_13] : memref<16777216xi32, #tpu.memory_space<hbm>> -> memref<16777216xi32, #tpu.memory_space<hbm>>
    tpu.enqueue_indirect_dma source(%dma_start3A_14 : memref<16777216xi32, #tpu.memory_space<hbm>>) target(%arg19 : memref<2048xi32, #tpu.memory_space<vmem>>) offsets(%arg15 : memref<2048xi32, #tpu.memory_space<vmem>>) semaphore(%arg37 : memref<!tpu.dma_semaphore, #tpu.memory_space<semaphore_mem>>)
    %dma_start3A_15 = arith.constant 0 : i32
    %dma_start3A_16 = tpu.memref_slice %arg5[%dma_start3A_15] : memref<16777216xi32, #tpu.memory_space<hbm>> -> memref<16777216xi32, #tpu.memory_space<hbm>>
    tpu.enqueue_indirect_dma source(%dma_start3A_16 : memref<16777216xi32, #tpu.memory_space<hbm>>) target(%arg20 : memref<2048xi32, #tpu.memory_space<vmem>>) offsets(%arg16 : memref<2048xi32, #tpu.memory_space<vmem>>) semaphore(%arg37 : memref<!tpu.dma_semaphore, #tpu.memory_space<semaphore_mem>>)
    %scan3A_17 = arith.constant 0 : i32
    %scan3A_18 = arith.constant 0 : i32
    %scan3A_19 = arith.constant 16 : i32
    %scan3A_20 = arith.addi %scan3A_18, %scan3A_19 : i32
    %scan3A_21 = arith.constant 1 : i32
    scf.for %scan3A_30 = %scan3A_18 to %scan3A_20 step %scan3A_21  : i32 {
      %mul3A_31 = arith.constant 2 : i32
      %mul3A_32 = arith.muli %mul3A_31, %scan3A_30 : i32
      %add3A_33 = arith.constant 1 : i32
      %add3A_34 = arith.addi %mul3A_32, %add3A_33 : i32
      %mul3A_35 = arith.constant 65536 : i32
      %mul3A_36 = arith.muli %add3A, %mul3A_35 : i32
      %mul3A_37 = arith.constant 2048 : i32
      %mul3A_38 = arith.muli %add3A_34, %mul3A_37 : i32
      %add3A_39 = arith.addi %mul3A_36, %mul3A_38 : i32
      "tpu.region"() ({
        %run_scoped3A = tpu.sem_alloc : memref<!tpu.dma_semaphore, #tpu.memory_space<semaphore_mem>>
        %dma_start3A_116 = tpu.memref_slice %arg2[%add3A_39] : memref<2097152xf32, #tpu.memory_space<hbm>> -> memref<2048xf32, #tpu.memory_space<hbm>>
        %dma_start3A_117 = tpu.memref_slice %arg2[%add3A_39] : memref<2097152xf32, #tpu.memory_space<hbm>> -> memref<2048xf32, #tpu.memory_space<hbm>>
        tpu.enqueue_dma source(%dma_start3A_117 : memref<2048xf32, #tpu.memory_space<hbm>>) target(%arg22 : memref<2048xf32, #tpu.memory_space<vmem>>) target_semaphore(%run_scoped3A : memref<!tpu.dma_semaphore, #tpu.memory_space<semaphore_mem>>)
        %dma_wait3A_118 = tpu.memref_slice %arg2[%add3A_39] : memref<2097152xf32, #tpu.memory_space<hbm>> -> memref<2048xf32, #tpu.memory_space<hbm>>
        %dma_wait3A_119 = tpu.memref_slice %arg2[%add3A_39] : memref<2097152xf32, #tpu.memory_space<hbm>> -> memref<2048xf32, #tpu.memory_space<hbm>>
        tpu.wait_dma2 semaphore(%run_scoped3A : memref<!tpu.dma_semaphore, #tpu.memory_space<semaphore_mem>>) src(%dma_wait3A_119 : memref<2048xf32, #tpu.memory_space<hbm>>) dst(%arg22 : memref<2048xf32, #tpu.memory_space<vmem>>)
        tpu.yield
      }) : () -> ()
      "tpu.region"() ({
        %run_scoped3A = tpu.sem_alloc : memref<!tpu.dma_semaphore, #tpu.memory_space<semaphore_mem>>
        %dma_start3A_116 = tpu.memref_slice %arg3[%add3A_39] : memref<2097152xf32, #tpu.memory_space<hbm>> -> memref<2048xf32, #tpu.memory_space<hbm>>
        %dma_start3A_117 = tpu.memref_slice %arg3[%add3A_39] : memref<2097152xf32, #tpu.memory_space<hbm>> -> memref<2048xf32, #tpu.memory_space<hbm>>
        tpu.enqueue_dma source(%dma_start3A_117 : memref<2048xf32, #tpu.memory_space<hbm>>) target(%arg23 : memref<2048xf32, #tpu.memory_space<vmem>>) target_semaphore(%run_scoped3A : memref<!tpu.dma_semaphore, #tpu.memory_space<semaphore_mem>>)
        %dma_wait3A_118 = tpu.memref_slice %arg3[%add3A_39] : memref<2097152xf32, #tpu.memory_space<hbm>> -> memref<2048xf32, #tpu.memory_space<hbm>>
        %dma_wait3A_119 = tpu.memref_slice %arg3[%add3A_39] : memref<2097152xf32, #tpu.memory_space<hbm>> -> memref<2048xf32, #tpu.memory_space<hbm>>
        tpu.wait_dma2 semaphore(%run_scoped3A : memref<!tpu.dma_semaphore, #tpu.memory_space<semaphore_mem>>) src(%dma_wait3A_119 : memref<2048xf32, #tpu.memory_space<hbm>>) dst(%arg23 : memref<2048xf32, #tpu.memory_space<vmem>>)
        tpu.yield
      }) : () -> ()
      "tpu.region"() ({
        %run_scoped3A = tpu.sem_alloc : memref<!tpu.dma_semaphore, #tpu.memory_space<semaphore_mem>>
        %dma_start3A_116 = tpu.memref_slice %arg4[%add3A_39] : memref<2097152xf32, #tpu.memory_space<hbm>> -> memref<2048xf32, #tpu.memory_space<hbm>>
        %dma_start3A_117 = tpu.memref_slice %arg4[%add3A_39] : memref<2097152xf32, #tpu.memory_space<hbm>> -> memref<2048xf32, #tpu.memory_space<hbm>>
        tpu.enqueue_dma source(%dma_start3A_117 : memref<2048xf32, #tpu.memory_space<hbm>>) target(%arg24 : memref<2048xf32, #tpu.memory_space<vmem>>) target_semaphore(%run_scoped3A : memref<!tpu.dma_semaphore, #tpu.memory_space<semaphore_mem>>)
        %dma_wait3A_118 = tpu.memref_slice %arg4[%add3A_39] : memref<2097152xf32, #tpu.memory_space<hbm>> -> memref<2048xf32, #tpu.memory_space<hbm>>
        %dma_wait3A_119 = tpu.memref_slice %arg4[%add3A_39] : memref<2097152xf32, #tpu.memory_space<hbm>> -> memref<2048xf32, #tpu.memory_space<hbm>>
        tpu.wait_dma2 semaphore(%run_scoped3A : memref<!tpu.dma_semaphore, #tpu.memory_space<semaphore_mem>>) src(%dma_wait3A_119 : memref<2048xf32, #tpu.memory_space<hbm>>) dst(%arg24 : memref<2048xf32, #tpu.memory_space<vmem>>)
        tpu.yield
      }) : () -> ()
      %scan3A_40 = arith.constant 0 : i32
      %scan3A_41 = arith.constant 0 : i32
      %scan3A_42 = arith.constant 128 : i32
      %scan3A_43 = arith.addi %scan3A_41, %scan3A_42 : i32
      %scan3A_44 = arith.constant 1 : i32
      scf.for %scan3A_116 = %scan3A_41 to %scan3A_43 step %scan3A_44  : i32 {
        %mul3A_117 = arith.constant 16 : i32
        %mul3A_118 = arith.muli %scan3A_116, %mul3A_117 : i32
        %get3A = arith.index_cast %mul3A_118 : i32 to index
        %get3A_119 = tpu.vector_load %arg22[%get3A] {strides = array<i32>} : memref<2048xf32, #tpu.memory_space<vmem>>, vector<16xf32>,
        %get3A_120 = arith.index_cast %mul3A_118 : i32 to index
        %get3A_121 = tpu.vector_load %arg23[%get3A_120] {strides = array<i32>} : memref<2048xf32, #tpu.memory_space<vmem>>, vector<16xf32>,
        %get3A_122 = arith.index_cast %mul3A_118 : i32 to index
        %get3A_123 = tpu.vector_load %arg24[%get3A_122] {strides = array<i32>} : memref<2048xf32, #tpu.memory_space<vmem>>, vector<16xf32>,
        %add3A_124 = arith.constant 1.000000e+00 : f32
        %add3A_125 = vector.broadcast %add3A_124 : f32 to vector<16xf32>
        %add3A_126 = arith.addf %get3A_119, %add3A_125 : vector<16xf32>
        %mul3A_127 = arith.constant 5.000000e-01 : f32
        %mul3A_128 = vector.broadcast %mul3A_127 : f32 to vector<16xf32>
        %mul3A_129 = arith.mulf %add3A_126, %mul3A_128 : vector<16xf32>
        %mul3A_130 = arith.constant 2.550000e+02 : f32
        %mul3A_131 = vector.broadcast %mul3A_130 : f32 to vector<16xf32>
        %mul3A_132 = arith.mulf %mul3A_129, %mul3A_131 : vector<16xf32>
        %add3A_133 = arith.constant 1.000000e+00 : f32
        %add3A_134 = vector.broadcast %add3A_133 : f32 to vector<16xf32>
        %add3A_135 = arith.addf %get3A_121, %add3A_134 : vector<16xf32>
        %mul3A_136 = arith.constant 5.000000e-01 : f32
        %mul3A_137 = vector.broadcast %mul3A_136 : f32 to vector<16xf32>
        %mul3A_138 = arith.mulf %add3A_135, %mul3A_137 : vector<16xf32>
        %mul3A_139 = arith.constant 2.550000e+02 : f32
        %mul3A_140 = vector.broadcast %mul3A_139 : f32 to vector<16xf32>
        %mul3A_141 = arith.mulf %mul3A_138, %mul3A_140 : vector<16xf32>
        %add3A_142 = arith.constant 1.000000e+00 : f32
        %add3A_143 = vector.broadcast %add3A_142 : f32 to vector<16xf32>
        %add3A_144 = arith.addf %get3A_123, %add3A_143 : vector<16xf32>
        %mul3A_145 = arith.constant 5.000000e-01 : f32
        %mul3A_146 = vector.broadcast %mul3A_145 : f32 to vector<16xf32>
        %mul3A_147 = arith.mulf %add3A_144, %mul3A_146 : vector<16xf32>
        %mul3A_148 = arith.constant 2.550000e+02 : f32
        %mul3A_149 = vector.broadcast %mul3A_148 : f32 to vector<16xf32>
        %mul3A_150 = arith.mulf %mul3A_147, %mul3A_149 : vector<16xf32>
        %convert_element_type3A = arith.fptosi %mul3A_132 : vector<16xf32> to vector<16xi32>
        %convert_element_type3A_151 = arith.fptosi %mul3A_141 : vector<16xf32> to vector<16xi32>
        %convert_element_type3A_152 = arith.fptosi %mul3A_150 : vector<16xf32> to vector<16xi32>
        %convert_element_type3A_153 = arith.sitofp %convert_element_type3A : vector<16xi32> to vector<16xf32>
        %sub3A = arith.subf %mul3A_132, %convert_element_type3A_153 : vector<16xf32>
        %swap3A = arith.index_cast %mul3A_118 : i32 to index
        %swap3A_154 = tpu.vector_load %arg25[%swap3A] {strides = array<i32>} : memref<2048xf32, #tpu.memory_space<vmem>>, vector<16xf32>,
        tpu.vector_store %arg25[%swap3A], %sub3A {strides = array<i32>} : memref<2048xf32, #tpu.memory_space<vmem>>, vector<16xf32>,
        %convert_element_type3A_155 = arith.sitofp %convert_element_type3A_151 : vector<16xi32> to vector<16xf32>
        %sub3A_156 = arith.subf %mul3A_141, %convert_element_type3A_155 : vector<16xf32>
        %swap3A_157 = arith.index_cast %mul3A_118 : i32 to index
        %swap3A_158 = tpu.vector_load %arg26[%swap3A_157] {strides = array<i32>} : memref<2048xf32, #tpu.memory_space<vmem>>, vector<16xf32>,
        tpu.vector_store %arg26[%swap3A_157], %sub3A_156 {strides = array<i32>} : memref<2048xf32, #tpu.memory_space<vmem>>, vector<16xf32>,
        %convert_element_type3A_159 = arith.sitofp %convert_element_type3A_152 : vector<16xi32> to vector<16xf32>
        %sub3A_160 = arith.subf %mul3A_150, %convert_element_type3A_159 : vector<16xf32>
        %swap3A_161 = arith.index_cast %mul3A_118 : i32 to index
        %swap3A_162 = tpu.vector_load %arg27[%swap3A_161] {strides = array<i32>} : memref<2048xf32, #tpu.memory_space<vmem>>, vector<16xf32>,
        tpu.vector_store %arg27[%swap3A_161], %sub3A_160 {strides = array<i32>} : memref<2048xf32, #tpu.memory_space<vmem>>, vector<16xf32>,
        %shift_left3A = arith.constant 16 : i32
        %shift_left3A_163 = vector.broadcast %shift_left3A : i32 to vector<16xi32>
        %shift_left3A_164 = arith.shli %convert_element_type3A_152, %shift_left3A_163 : vector<16xi32>
        %shift_left3A_165 = arith.constant 8 : i32
        %shift_left3A_166 = vector.broadcast %shift_left3A_165 : i32 to vector<16xi32>
        %shift_left3A_167 = arith.shli %convert_element_type3A_151, %shift_left3A_166 : vector<16xi32>
        %add3A_168 = arith.addi %shift_left3A_164, %shift_left3A_167 : vector<16xi32>
        %add3A_169 = arith.addi %add3A_168, %convert_element_type3A : vector<16xi32>
        %swap3A_170 = arith.index_cast %mul3A_118 : i32 to index
        %swap3A_171 = tpu.vector_load %arg28[%swap3A_170] {strides = array<i32>} : memref<2048xi32, #tpu.memory_space<vmem>>, vector<16xi32>,
        tpu.vector_store %arg28[%swap3A_170], %add3A_169 {strides = array<i32>} : memref<2048xi32, #tpu.memory_space<vmem>>, vector<16xi32>,
        %add3A_172 = arith.constant 256 : i32
        %add3A_173 = vector.broadcast %add3A_172 : i32 to vector<16xi32>
        %add3A_174 = arith.addi %add3A_169, %add3A_173 : vector<16xi32>
        %swap3A_175 = arith.index_cast %mul3A_118 : i32 to index
        %swap3A_176 = tpu.vector_load %arg29[%swap3A_175] {strides = array<i32>} : memref<2048xi32, #tpu.memory_space<vmem>>, vector<16xi32>,
        tpu.vector_store %arg29[%swap3A_175], %add3A_174 {strides = array<i32>} : memref<2048xi32, #tpu.memory_space<vmem>>, vector<16xi32>,
        %add3A_177 = arith.constant 65536 : i32
        %add3A_178 = vector.broadcast %add3A_177 : i32 to vector<16xi32>
        %add3A_179 = arith.addi %add3A_169, %add3A_178 : vector<16xi32>
        %swap3A_180 = arith.index_cast %mul3A_118 : i32 to index
        %swap3A_181 = tpu.vector_load %arg30[%swap3A_180] {strides = array<i32>} : memref<2048xi32, #tpu.memory_space<vmem>>, vector<16xi32>,
        tpu.vector_store %arg30[%swap3A_180], %add3A_179 {strides = array<i32>} : memref<2048xi32, #tpu.memory_space<vmem>>, vector<16xi32>,
        %add3A_182 = arith.constant 65792 : i32
        %add3A_183 = vector.broadcast %add3A_182 : i32 to vector<16xi32>
        %add3A_184 = arith.addi %add3A_169, %add3A_183 : vector<16xi32>
        %swap3A_185 = arith.index_cast %mul3A_118 : i32 to index
        %swap3A_186 = tpu.vector_load %arg31[%swap3A_185] {strides = array<i32>} : memref<2048xi32, #tpu.memory_space<vmem>>, vector<16xi32>,
        tpu.vector_store %arg31[%swap3A_185], %add3A_184 {strides = array<i32>} : memref<2048xi32, #tpu.memory_space<vmem>>, vector<16xi32>,
      }
      %scan3A_45 = arith.constant 128 : i32
      %dma_start3A_46 = arith.constant 0 : i32
      %dma_start3A_47 = tpu.memref_slice %arg5[%dma_start3A_46] : memref<16777216xi32, #tpu.memory_space<hbm>> -> memref<16777216xi32, #tpu.memory_space<hbm>>
      tpu.enqueue_indirect_dma source(%dma_start3A_47 : memref<16777216xi32, #tpu.memory_space<hbm>>) target(%arg32 : memref<2048xi32, #tpu.memory_space<vmem>>) offsets(%arg28 : memref<2048xi32, #tpu.memory_space<vmem>>) semaphore(%arg38 : memref<!tpu.dma_semaphore, #tpu.memory_space<semaphore_mem>>)
      %dma_start3A_48 = arith.constant 0 : i32
      %dma_start3A_49 = tpu.memref_slice %arg5[%dma_start3A_48] : memref<16777216xi32, #tpu.memory_space<hbm>> -> memref<16777216xi32, #tpu.memory_space<hbm>>
      tpu.enqueue_indirect_dma source(%dma_start3A_49 : memref<16777216xi32, #tpu.memory_space<hbm>>) target(%arg33 : memref<2048xi32, #tpu.memory_space<vmem>>) offsets(%arg29 : memref<2048xi32, #tpu.memory_space<vmem>>) semaphore(%arg38 : memref<!tpu.dma_semaphore, #tpu.memory_space<semaphore_mem>>)
      %dma_start3A_50 = arith.constant 0 : i32
      %dma_start3A_51 = tpu.memref_slice %arg5[%dma_start3A_50] : memref<16777216xi32, #tpu.memory_space<hbm>> -> memref<16777216xi32, #tpu.memory_space<hbm>>
      tpu.enqueue_indirect_dma source(%dma_start3A_51 : memref<16777216xi32, #tpu.memory_space<hbm>>) target(%arg34 : memref<2048xi32, #tpu.memory_space<vmem>>) offsets(%arg30 : memref<2048xi32, #tpu.memory_space<vmem>>) semaphore(%arg38 : memref<!tpu.dma_semaphore, #tpu.memory_space<semaphore_mem>>)
      %dma_start3A_52 = arith.constant 0 : i32
      %dma_start3A_53 = tpu.memref_slice %arg5[%dma_start3A_52] : memref<16777216xi32, #tpu.memory_space<hbm>> -> memref<16777216xi32, #tpu.memory_space<hbm>>
      tpu.enqueue_indirect_dma source(%dma_start3A_53 : memref<16777216xi32, #tpu.memory_space<hbm>>) target(%arg35 : memref<2048xi32, #tpu.memory_space<vmem>>) offsets(%arg31 : memref<2048xi32, #tpu.memory_space<vmem>>) semaphore(%arg38 : memref<!tpu.dma_semaphore, #tpu.memory_space<semaphore_mem>>)
      %dma_wait3A_54 = arith.constant 0 : i32
      %dma_wait3A_55 = tpu.memref_slice %arg5[%dma_wait3A_54] : memref<16777216xi32, #tpu.memory_space<hbm>> -> memref<16777216xi32, #tpu.memory_space<hbm>>
      tpu.wait_indirect_dma semaphore(%arg37 : memref<!tpu.dma_semaphore, #tpu.memory_space<semaphore_mem>>) src(%dma_wait3A_55 : memref<16777216xi32, #tpu.memory_space<hbm>>) dst(%arg17 : memref<2048xi32, #tpu.memory_space<vmem>>)
      %dma_wait3A_56 = arith.constant 0 : i32
      %dma_wait3A_57 = tpu.memref_slice %arg5[%dma_wait3A_56] : memref<16777216xi32, #tpu.memory_space<hbm>> -> memref<16777216xi32, #tpu.memory_space<hbm>>
      tpu.wait_indirect_dma semaphore(%arg37 : memref<!tpu.dma_semaphore, #tpu.memory_space<semaphore_mem>>) src(%dma_wait3A_57 : memref<16777216xi32, #tpu.memory_space<hbm>>) dst(%arg18 : memref<2048xi32, #tpu.memory_space<vmem>>)
      %dma_wait3A_58 = arith.constant 0 : i32
      %dma_wait3A_59 = tpu.memref_slice %arg5[%dma_wait3A_58] : memref<16777216xi32, #tpu.memory_space<hbm>> -> memref<16777216xi32, #tpu.memory_space<hbm>>
      tpu.wait_indirect_dma semaphore(%arg37 : memref<!tpu.dma_semaphore, #tpu.memory_space<semaphore_mem>>) src(%dma_wait3A_59 : memref<16777216xi32, #tpu.memory_space<hbm>>) dst(%arg19 : memref<2048xi32, #tpu.memory_space<vmem>>)
      %dma_wait3A_60 = arith.constant 0 : i32
      %dma_wait3A_61 = tpu.memref_slice %arg5[%dma_wait3A_60] : memref<16777216xi32, #tpu.memory_space<hbm>> -> memref<16777216xi32, #tpu.memory_space<hbm>>
      tpu.wait_indirect_dma semaphore(%arg37 : memref<!tpu.dma_semaphore, #tpu.memory_space<semaphore_mem>>) src(%dma_wait3A_61 : memref<16777216xi32, #tpu.memory_space<hbm>>) dst(%arg20 : memref<2048xi32, #tpu.memory_space<vmem>>)
      %scan3A_62 = arith.constant 0 : i32
      %scan3A_63 = arith.constant 0 : i32
      %scan3A_64 = arith.constant 128 : i32
      %scan3A_65 = arith.addi %scan3A_63, %scan3A_64 : i32
      %scan3A_66 = arith.constant 1 : i32
      scf.for %scan3A_116 = %scan3A_63 to %scan3A_65 step %scan3A_66  : i32 {
        %mul3A_117 = arith.constant 16 : i32
        %mul3A_118 = arith.muli %scan3A_116, %mul3A_117 : i32
        %get3A = arith.index_cast %mul3A_118 : i32 to index
        %get3A_119 = tpu.vector_load %arg10[%get3A] {strides = array<i32>} : memref<2048xf32, #tpu.memory_space<vmem>>, vector<16xf32>,
        %get3A_120 = arith.index_cast %mul3A_118 : i32 to index
        %get3A_121 = tpu.vector_load %arg11[%get3A_120] {strides = array<i32>} : memref<2048xf32, #tpu.memory_space<vmem>>, vector<16xf32>,
        %get3A_122 = arith.index_cast %mul3A_118 : i32 to index
        %get3A_123 = tpu.vector_load %arg12[%get3A_122] {strides = array<i32>} : memref<2048xf32, #tpu.memory_space<vmem>>, vector<16xf32>,
        %get3A_124 = arith.index_cast %mul3A_118 : i32 to index
        %get3A_125 = tpu.vector_load %arg17[%get3A_124] {strides = array<i32>} : memref<2048xi32, #tpu.memory_space<vmem>>, vector<16xi32>,
        %bitcast3A = vector.bitcast %get3A_125 : vector<16xi32> to vector<32xbf16>
        %unpack3A = tpu.unpack_subelements %bitcast3A, 0 {pack_format = #tpu.pack_format<interleaved>} : vector<32xbf16> -> vector<16xf32>
        %unpack3A_126 = tpu.unpack_subelements %bitcast3A, 1 {pack_format = #tpu.pack_format<interleaved>} : vector<32xbf16> -> vector<16xf32>
        %sub3A = arith.subf %unpack3A_126, %unpack3A : vector<16xf32>
        %mul3A_127 = arith.mulf %get3A_119, %sub3A : vector<16xf32>
        %add3A_128 = arith.addf %unpack3A, %mul3A_127 : vector<16xf32>
        %get3A_129 = arith.index_cast %mul3A_118 : i32 to index
        %get3A_130 = tpu.vector_load %arg18[%get3A_129] {strides = array<i32>} : memref<2048xi32, #tpu.memory_space<vmem>>, vector<16xi32>,
        %bitcast3A_131 = vector.bitcast %get3A_130 : vector<16xi32> to vector<32xbf16>
        %unpack3A_132 = tpu.unpack_subelements %bitcast3A_131, 0 {pack_format = #tpu.pack_format<interleaved>} : vector<32xbf16> -> vector<16xf32>
        %unpack3A_133 = tpu.unpack_subelements %bitcast3A_131, 1 {pack_format = #tpu.pack_format<interleaved>} : vector<32xbf16> -> vector<16xf32>
        %sub3A_134 = arith.subf %unpack3A_133, %unpack3A_132 : vector<16xf32>
        %mul3A_135 = arith.mulf %get3A_119, %sub3A_134 : vector<16xf32>
        %add3A_136 = arith.addf %unpack3A_132, %mul3A_135 : vector<16xf32>
        %get3A_137 = arith.index_cast %mul3A_118 : i32 to index
        %get3A_138 = tpu.vector_load %arg19[%get3A_137] {strides = array<i32>} : memref<2048xi32, #tpu.memory_space<vmem>>, vector<16xi32>,
        %bitcast3A_139 = vector.bitcast %get3A_138 : vector<16xi32> to vector<32xbf16>
        %unpack3A_140 = tpu.unpack_subelements %bitcast3A_139, 0 {pack_format = #tpu.pack_format<interleaved>} : vector<32xbf16> -> vector<16xf32>
        %unpack3A_141 = tpu.unpack_subelements %bitcast3A_139, 1 {pack_format = #tpu.pack_format<interleaved>} : vector<32xbf16> -> vector<16xf32>
        %sub3A_142 = arith.subf %unpack3A_141, %unpack3A_140 : vector<16xf32>
        %mul3A_143 = arith.mulf %get3A_119, %sub3A_142 : vector<16xf32>
        %add3A_144 = arith.addf %unpack3A_140, %mul3A_143 : vector<16xf32>
        %get3A_145 = arith.index_cast %mul3A_118 : i32 to index
        %get3A_146 = tpu.vector_load %arg20[%get3A_145] {strides = array<i32>} : memref<2048xi32, #tpu.memory_space<vmem>>, vector<16xi32>,
        %bitcast3A_147 = vector.bitcast %get3A_146 : vector<16xi32> to vector<32xbf16>
        %unpack3A_148 = tpu.unpack_subelements %bitcast3A_147, 0 {pack_format = #tpu.pack_format<interleaved>} : vector<32xbf16> -> vector<16xf32>
        %unpack3A_149 = tpu.unpack_subelements %bitcast3A_147, 1 {pack_format = #tpu.pack_format<interleaved>} : vector<32xbf16> -> vector<16xf32>
        %sub3A_150 = arith.subf %unpack3A_149, %unpack3A_148 : vector<16xf32>
        %mul3A_151 = arith.mulf %get3A_119, %sub3A_150 : vector<16xf32>
        %add3A_152 = arith.addf %unpack3A_148, %mul3A_151 : vector<16xf32>
        %sub3A_153 = arith.subf %add3A_136, %add3A_128 : vector<16xf32>
        %mul3A_154 = arith.mulf %get3A_121, %sub3A_153 : vector<16xf32>
        %add3A_155 = arith.addf %add3A_128, %mul3A_154 : vector<16xf32>
        %sub3A_156 = arith.subf %add3A_152, %add3A_144 : vector<16xf32>
        %mul3A_157 = arith.mulf %get3A_121, %sub3A_156 : vector<16xf32>
        %add3A_158 = arith.addf %add3A_144, %mul3A_157 : vector<16xf32>
        %sub3A_159 = arith.subf %add3A_158, %add3A_155 : vector<16xf32>
        %mul3A_160 = arith.mulf %get3A_123, %sub3A_159 : vector<16xf32>
        %add3A_161 = arith.addf %add3A_155, %mul3A_160 : vector<16xf32>
        %swap3A = arith.index_cast %mul3A_118 : i32 to index
        %swap3A_162 = tpu.vector_load %arg21[%swap3A] {strides = array<i32>} : memref<2048xf32, #tpu.memory_space<vmem>>, vector<16xf32>,
        tpu.vector_store %arg21[%swap3A], %add3A_161 {strides = array<i32>} : memref<2048xf32, #tpu.memory_space<vmem>>, vector<16xf32>,
      }
      %scan3A_67 = arith.constant 128 : i32
      %mul3A_68 = arith.constant 65536 : i32
      %mul3A_69 = arith.muli %add3A, %mul3A_68 : i32
      %mul3A_70 = arith.constant 2048 : i32
      %mul3A_71 = arith.muli %mul3A_32, %mul3A_70 : i32
      %add3A_72 = arith.addi %mul3A_69, %mul3A_71 : i32
      "tpu.region"() ({
        %run_scoped3A = tpu.sem_alloc : memref<!tpu.dma_semaphore, #tpu.memory_space<semaphore_mem>>
        %dma_start3A_116 = tpu.memref_slice %arg6[%add3A_72] : memref<2097152xf32, #tpu.memory_space<hbm>> -> memref<2048xf32, #tpu.memory_space<hbm>>
        %dma_start3A_117 = tpu.memref_slice %arg6[%add3A_72] : memref<2097152xf32, #tpu.memory_space<hbm>> -> memref<2048xf32, #tpu.memory_space<hbm>>
        tpu.enqueue_dma source(%arg21 : memref<2048xf32, #tpu.memory_space<vmem>>) target(%dma_start3A_117 : memref<2048xf32, #tpu.memory_space<hbm>>) target_semaphore(%run_scoped3A : memref<!tpu.dma_semaphore, #tpu.memory_space<semaphore_mem>>)
        %dma_wait3A_118 = tpu.memref_slice %arg6[%add3A_72] : memref<2097152xf32, #tpu.memory_space<hbm>> -> memref<2048xf32, #tpu.memory_space<hbm>>
        %dma_wait3A_119 = tpu.memref_slice %arg6[%add3A_72] : memref<2097152xf32, #tpu.memory_space<hbm>> -> memref<2048xf32, #tpu.memory_space<hbm>>
        tpu.wait_dma2 semaphore(%run_scoped3A : memref<!tpu.dma_semaphore, #tpu.memory_space<semaphore_mem>>) src(%arg21 : memref<2048xf32, #tpu.memory_space<vmem>>) dst(%dma_wait3A_119 : memref<2048xf32, #tpu.memory_space<hbm>>)
        tpu.yield
      }) : () -> ()
      %add3A_73 = arith.constant 2 : i32
      %add3A_74 = arith.addi %mul3A_32, %add3A_73 : i32
      %rem3A = arith.constant 32 : i32
      %rem3A_75 = arith.remsi %add3A_74, %rem3A : i32
      %mul3A_76 = arith.constant 65536 : i32
      %mul3A_77 = arith.muli %add3A, %mul3A_76 : i32
      %mul3A_78 = arith.constant 2048 : i32
      %mul3A_79 = arith.muli %rem3A_75, %mul3A_78 : i32
      %add3A_80 = arith.addi %mul3A_77, %mul3A_79 : i32
      "tpu.region"() ({
        %run_scoped3A = tpu.sem_alloc : memref<!tpu.dma_semaphore, #tpu.memory_space<semaphore_mem>>
        %dma_start3A_116 = tpu.memref_slice %arg2[%add3A_80] : memref<2097152xf32, #tpu.memory_space<hbm>> -> memref<2048xf32, #tpu.memory_space<hbm>>
        %dma_start3A_117 = tpu.memref_slice %arg2[%add3A_80] : memref<2097152xf32, #tpu.memory_space<hbm>> -> memref<2048xf32, #tpu.memory_space<hbm>>
        tpu.enqueue_dma source(%dma_start3A_117 : memref<2048xf32, #tpu.memory_space<hbm>>) target(%arg7 : memref<2048xf32, #tpu.memory_space<vmem>>) target_semaphore(%run_scoped3A : memref<!tpu.dma_semaphore, #tpu.memory_space<semaphore_mem>>)
        %dma_wait3A_118 = tpu.memref_slice %arg2[%add3A_80] : memref<2097152xf32, #tpu.memory_space<hbm>> -> memref<2048xf32, #tpu.memory_space<hbm>>
        %dma_wait3A_119 = tpu.memref_slice %arg2[%add3A_80] : memref<2097152xf32, #tpu.memory_space<hbm>> -> memref<2048xf32, #tpu.memory_space<hbm>>
        tpu.wait_dma2 semaphore(%run_scoped3A : memref<!tpu.dma_semaphore, #tpu.memory_space<semaphore_mem>>) src(%dma_wait3A_119 : memref<2048xf32, #tpu.memory_space<hbm>>) dst(%arg7 : memref<2048xf32, #tpu.memory_space<vmem>>)
        tpu.yield
      }) : () -> ()
      "tpu.region"() ({
        %run_scoped3A = tpu.sem_alloc : memref<!tpu.dma_semaphore, #tpu.memory_space<semaphore_mem>>
        %dma_start3A_116 = tpu.memref_slice %arg3[%add3A_80] : memref<2097152xf32, #tpu.memory_space<hbm>> -> memref<2048xf32, #tpu.memory_space<hbm>>
        %dma_start3A_117 = tpu.memref_slice %arg3[%add3A_80] : memref<2097152xf32, #tpu.memory_space<hbm>> -> memref<2048xf32, #tpu.memory_space<hbm>>
        tpu.enqueue_dma source(%dma_start3A_117 : memref<2048xf32, #tpu.memory_space<hbm>>) target(%arg8 : memref<2048xf32, #tpu.memory_space<vmem>>) target_semaphore(%run_scoped3A : memref<!tpu.dma_semaphore, #tpu.memory_space<semaphore_mem>>)
        %dma_wait3A_118 = tpu.memref_slice %arg3[%add3A_80] : memref<2097152xf32, #tpu.memory_space<hbm>> -> memref<2048xf32, #tpu.memory_space<hbm>>
        %dma_wait3A_119 = tpu.memref_slice %arg3[%add3A_80] : memref<2097152xf32, #tpu.memory_space<hbm>> -> memref<2048xf32, #tpu.memory_space<hbm>>
        tpu.wait_dma2 semaphore(%run_scoped3A : memref<!tpu.dma_semaphore, #tpu.memory_space<semaphore_mem>>) src(%dma_wait3A_119 : memref<2048xf32, #tpu.memory_space<hbm>>) dst(%arg8 : memref<2048xf32, #tpu.memory_space<vmem>>)
        tpu.yield
      }) : () -> ()
      "tpu.region"() ({
        %run_scoped3A = tpu.sem_alloc : memref<!tpu.dma_semaphore, #tpu.memory_space<semaphore_mem>>
        %dma_start3A_116 = tpu.memref_slice %arg4[%add3A_80] : memref<2097152xf32, #tpu.memory_space<hbm>> -> memref<2048xf32, #tpu.memory_space<hbm>>
        %dma_start3A_117 = tpu.memref_slice %arg4[%add3A_80] : memref<2097152xf32, #tpu.memory_space<hbm>> -> memref<2048xf32, #tpu.memory_space<hbm>>
        tpu.enqueue_dma source(%dma_start3A_117 : memref<2048xf32, #tpu.memory_space<hbm>>) target(%arg9 : memref<2048xf32, #tpu.memory_space<vmem>>) target_semaphore(%run_scoped3A : memref<!tpu.dma_semaphore, #tpu.memory_space<semaphore_mem>>)
        %dma_wait3A_118 = tpu.memref_slice %arg4[%add3A_80] : memref<2097152xf32, #tpu.memory_space<hbm>> -> memref<2048xf32, #tpu.memory_space<hbm>>
        %dma_wait3A_119 = tpu.memref_slice %arg4[%add3A_80] : memref<2097152xf32, #tpu.memory_space<hbm>> -> memref<2048xf32, #tpu.memory_space<hbm>>
        tpu.wait_dma2 semaphore(%run_scoped3A : memref<!tpu.dma_semaphore, #tpu.memory_space<semaphore_mem>>) src(%dma_wait3A_119 : memref<2048xf32, #tpu.memory_space<hbm>>) dst(%arg9 : memref<2048xf32, #tpu.memory_space<vmem>>)
        tpu.yield
      }) : () -> ()
      %scan3A_81 = arith.constant 0 : i32
      %scan3A_82 = arith.constant 0 : i32
      %scan3A_83 = arith.constant 128 : i32
      %scan3A_84 = arith.addi %scan3A_82, %scan3A_83 : i32
      %scan3A_85 = arith.constant 1 : i32
      scf.for %scan3A_116 = %scan3A_82 to %scan3A_84 step %scan3A_85  : i32 {
        %mul3A_117 = arith.constant 16 : i32
        %mul3A_118 = arith.muli %scan3A_116, %mul3A_117 : i32
        %get3A = arith.index_cast %mul3A_118 : i32 to index
        %get3A_119 = tpu.vector_load %arg7[%get3A] {strides = array<i32>} : memref<2048xf32, #tpu.memory_space<vmem>>, vector<16xf32>,
        %get3A_120 = arith.index_cast %mul3A_118 : i32 to index
        %get3A_121 = tpu.vector_load %arg8[%get3A_120] {strides = array<i32>} : memref<2048xf32, #tpu.memory_space<vmem>>, vector<16xf32>,
        %get3A_122 = arith.index_cast %mul3A_118 : i32 to index
        %get3A_123 = tpu.vector_load %arg9[%get3A_122] {strides = array<i32>} : memref<2048xf32, #tpu.memory_space<vmem>>, vector<16xf32>,
        %add3A_124 = arith.constant 1.000000e+00 : f32
        %add3A_125 = vector.broadcast %add3A_124 : f32 to vector<16xf32>
        %add3A_126 = arith.addf %get3A_119, %add3A_125 : vector<16xf32>
        %mul3A_127 = arith.constant 5.000000e-01 : f32
        %mul3A_128 = vector.broadcast %mul3A_127 : f32 to vector<16xf32>
        %mul3A_129 = arith.mulf %add3A_126, %mul3A_128 : vector<16xf32>
        %mul3A_130 = arith.constant 2.550000e+02 : f32
        %mul3A_131 = vector.broadcast %mul3A_130 : f32 to vector<16xf32>
        %mul3A_132 = arith.mulf %mul3A_129, %mul3A_131 : vector<16xf32>
        %add3A_133 = arith.constant 1.000000e+00 : f32
        %add3A_134 = vector.broadcast %add3A_133 : f32 to vector<16xf32>
        %add3A_135 = arith.addf %get3A_121, %add3A_134 : vector<16xf32>
        %mul3A_136 = arith.constant 5.000000e-01 : f32
        %mul3A_137 = vector.broadcast %mul3A_136 : f32 to vector<16xf32>
        %mul3A_138 = arith.mulf %add3A_135, %mul3A_137 : vector<16xf32>
        %mul3A_139 = arith.constant 2.550000e+02 : f32
        %mul3A_140 = vector.broadcast %mul3A_139 : f32 to vector<16xf32>
        %mul3A_141 = arith.mulf %mul3A_138, %mul3A_140 : vector<16xf32>
        %add3A_142 = arith.constant 1.000000e+00 : f32
        %add3A_143 = vector.broadcast %add3A_142 : f32 to vector<16xf32>
        %add3A_144 = arith.addf %get3A_123, %add3A_143 : vector<16xf32>
        %mul3A_145 = arith.constant 5.000000e-01 : f32
        %mul3A_146 = vector.broadcast %mul3A_145 : f32 to vector<16xf32>
        %mul3A_147 = arith.mulf %add3A_144, %mul3A_146 : vector<16xf32>
        %mul3A_148 = arith.constant 2.550000e+02 : f32
        %mul3A_149 = vector.broadcast %mul3A_148 : f32 to vector<16xf32>
        %mul3A_150 = arith.mulf %mul3A_147, %mul3A_149 : vector<16xf32>
        %convert_element_type3A = arith.fptosi %mul3A_132 : vector<16xf32> to vector<16xi32>
        %convert_element_type3A_151 = arith.fptosi %mul3A_141 : vector<16xf32> to vector<16xi32>
        %convert_element_type3A_152 = arith.fptosi %mul3A_150 : vector<16xf32> to vector<16xi32>
        %convert_element_type3A_153 = arith.sitofp %convert_element_type3A : vector<16xi32> to vector<16xf32>
        %sub3A = arith.subf %mul3A_132, %convert_element_type3A_153 : vector<16xf32>
        %swap3A = arith.index_cast %mul3A_118 : i32 to index
        %swap3A_154 = tpu.vector_load %arg10[%swap3A] {strides = array<i32>} : memref<2048xf32, #tpu.memory_space<vmem>>, vector<16xf32>,
        tpu.vector_store %arg10[%swap3A], %sub3A {strides = array<i32>} : memref<2048xf32, #tpu.memory_space<vmem>>, vector<16xf32>,
        %convert_element_type3A_155 = arith.sitofp %convert_element_type3A_151 : vector<16xi32> to vector<16xf32>
        %sub3A_156 = arith.subf %mul3A_141, %convert_element_type3A_155 : vector<16xf32>
        %swap3A_157 = arith.index_cast %mul3A_118 : i32 to index
        %swap3A_158 = tpu.vector_load %arg11[%swap3A_157] {strides = array<i32>} : memref<2048xf32, #tpu.memory_space<vmem>>, vector<16xf32>,
        tpu.vector_store %arg11[%swap3A_157], %sub3A_156 {strides = array<i32>} : memref<2048xf32, #tpu.memory_space<vmem>>, vector<16xf32>,
        %convert_element_type3A_159 = arith.sitofp %convert_element_type3A_152 : vector<16xi32> to vector<16xf32>
        %sub3A_160 = arith.subf %mul3A_150, %convert_element_type3A_159 : vector<16xf32>
        %swap3A_161 = arith.index_cast %mul3A_118 : i32 to index
        %swap3A_162 = tpu.vector_load %arg12[%swap3A_161] {strides = array<i32>} : memref<2048xf32, #tpu.memory_space<vmem>>, vector<16xf32>,
        tpu.vector_store %arg12[%swap3A_161], %sub3A_160 {strides = array<i32>} : memref<2048xf32, #tpu.memory_space<vmem>>, vector<16xf32>,
        %shift_left3A = arith.constant 16 : i32
        %shift_left3A_163 = vector.broadcast %shift_left3A : i32 to vector<16xi32>
        %shift_left3A_164 = arith.shli %convert_element_type3A_152, %shift_left3A_163 : vector<16xi32>
        %shift_left3A_165 = arith.constant 8 : i32
        %shift_left3A_166 = vector.broadcast %shift_left3A_165 : i32 to vector<16xi32>
        %shift_left3A_167 = arith.shli %convert_element_type3A_151, %shift_left3A_166 : vector<16xi32>
        %add3A_168 = arith.addi %shift_left3A_164, %shift_left3A_167 : vector<16xi32>
        %add3A_169 = arith.addi %add3A_168, %convert_element_type3A : vector<16xi32>
        %swap3A_170 = arith.index_cast %mul3A_118 : i32 to index
        %swap3A_171 = tpu.vector_load %arg13[%swap3A_170] {strides = array<i32>} : memref<2048xi32, #tpu.memory_space<vmem>>, vector<16xi32>,
        tpu.vector_store %arg13[%swap3A_170], %add3A_169 {strides = array<i32>} : memref<2048xi32, #tpu.memory_space<vmem>>, vector<16xi32>,
        %add3A_172 = arith.constant 256 : i32
        %add3A_173 = vector.broadcast %add3A_172 : i32 to vector<16xi32>
        %add3A_174 = arith.addi %add3A_169, %add3A_173 : vector<16xi32>
        %swap3A_175 = arith.index_cast %mul3A_118 : i32 to index
        %swap3A_176 = tpu.vector_load %arg14[%swap3A_175] {strides = array<i32>} : memref<2048xi32, #tpu.memory_space<vmem>>, vector<16xi32>,
        tpu.vector_store %arg14[%swap3A_175], %add3A_174 {strides = array<i32>} : memref<2048xi32, #tpu.memory_space<vmem>>, vector<16xi32>,
        %add3A_177 = arith.constant 65536 : i32
        %add3A_178 = vector.broadcast %add3A_177 : i32 to vector<16xi32>
        %add3A_179 = arith.addi %add3A_169, %add3A_178 : vector<16xi32>
        %swap3A_180 = arith.index_cast %mul3A_118 : i32 to index
        %swap3A_181 = tpu.vector_load %arg15[%swap3A_180] {strides = array<i32>} : memref<2048xi32, #tpu.memory_space<vmem>>, vector<16xi32>,
        tpu.vector_store %arg15[%swap3A_180], %add3A_179 {strides = array<i32>} : memref<2048xi32, #tpu.memory_space<vmem>>, vector<16xi32>,
        %add3A_182 = arith.constant 65792 : i32
        %add3A_183 = vector.broadcast %add3A_182 : i32 to vector<16xi32>
        %add3A_184 = arith.addi %add3A_169, %add3A_183 : vector<16xi32>
        %swap3A_185 = arith.index_cast %mul3A_118 : i32 to index
        %swap3A_186 = tpu.vector_load %arg16[%swap3A_185] {strides = array<i32>} : memref<2048xi32, #tpu.memory_space<vmem>>, vector<16xi32>,
        tpu.vector_store %arg16[%swap3A_185], %add3A_184 {strides = array<i32>} : memref<2048xi32, #tpu.memory_space<vmem>>, vector<16xi32>,
      }
      %scan3A_86 = arith.constant 128 : i32
      %dma_start3A_87 = arith.constant 0 : i32
      %dma_start3A_88 = tpu.memref_slice %arg5[%dma_start3A_87] : memref<16777216xi32, #tpu.memory_space<hbm>> -> memref<16777216xi32, #tpu.memory_space<hbm>>
      tpu.enqueue_indirect_dma source(%dma_start3A_88 : memref<16777216xi32, #tpu.memory_space<hbm>>) target(%arg17 : memref<2048xi32, #tpu.memory_space<vmem>>) offsets(%arg13 : memref<2048xi32, #tpu.memory_space<vmem>>) semaphore(%arg37 : memref<!tpu.dma_semaphore, #tpu.memory_space<semaphore_mem>>)
      %dma_start3A_89 = arith.constant 0 : i32
      %dma_start3A_90 = tpu.memref_slice %arg5[%dma_start3A_89] : memref<16777216xi32, #tpu.memory_space<hbm>> -> memref<16777216xi32, #tpu.memory_space<hbm>>
      tpu.enqueue_indirect_dma source(%dma_start3A_90 : memref<16777216xi32, #tpu.memory_space<hbm>>) target(%arg18 : memref<2048xi32, #tpu.memory_space<vmem>>) offsets(%arg14 : memref<2048xi32, #tpu.memory_space<vmem>>) semaphore(%arg37 : memref<!tpu.dma_semaphore, #tpu.memory_space<semaphore_mem>>)
      %dma_start3A_91 = arith.constant 0 : i32
      %dma_start3A_92 = tpu.memref_slice %arg5[%dma_start3A_91] : memref<16777216xi32, #tpu.memory_space<hbm>> -> memref<16777216xi32, #tpu.memory_space<hbm>>
      tpu.enqueue_indirect_dma source(%dma_start3A_92 : memref<16777216xi32, #tpu.memory_space<hbm>>) target(%arg19 : memref<2048xi32, #tpu.memory_space<vmem>>) offsets(%arg15 : memref<2048xi32, #tpu.memory_space<vmem>>) semaphore(%arg37 : memref<!tpu.dma_semaphore, #tpu.memory_space<semaphore_mem>>)
      %dma_start3A_93 = arith.constant 0 : i32
      %dma_start3A_94 = tpu.memref_slice %arg5[%dma_start3A_93] : memref<16777216xi32, #tpu.memory_space<hbm>> -> memref<16777216xi32, #tpu.memory_space<hbm>>
      tpu.enqueue_indirect_dma source(%dma_start3A_94 : memref<16777216xi32, #tpu.memory_space<hbm>>) target(%arg20 : memref<2048xi32, #tpu.memory_space<vmem>>) offsets(%arg16 : memref<2048xi32, #tpu.memory_space<vmem>>) semaphore(%arg37 : memref<!tpu.dma_semaphore, #tpu.memory_space<semaphore_mem>>)
      %dma_wait3A_95 = arith.constant 0 : i32
      %dma_wait3A_96 = tpu.memref_slice %arg5[%dma_wait3A_95] : memref<16777216xi32, #tpu.memory_space<hbm>> -> memref<16777216xi32, #tpu.memory_space<hbm>>
      tpu.wait_indirect_dma semaphore(%arg38 : memref<!tpu.dma_semaphore, #tpu.memory_space<semaphore_mem>>) src(%dma_wait3A_96 : memref<16777216xi32, #tpu.memory_space<hbm>>) dst(%arg32 : memref<2048xi32, #tpu.memory_space<vmem>>)
      %dma_wait3A_97 = arith.constant 0 : i32
      %dma_wait3A_98 = tpu.memref_slice %arg5[%dma_wait3A_97] : memref<16777216xi32, #tpu.memory_space<hbm>> -> memref<16777216xi32, #tpu.memory_space<hbm>>
      tpu.wait_indirect_dma semaphore(%arg38 : memref<!tpu.dma_semaphore, #tpu.memory_space<semaphore_mem>>) src(%dma_wait3A_98 : memref<16777216xi32, #tpu.memory_space<hbm>>) dst(%arg33 : memref<2048xi32, #tpu.memory_space<vmem>>)
      %dma_wait3A_99 = arith.constant 0 : i32
      %dma_wait3A_100 = tpu.memref_slice %arg5[%dma_wait3A_99] : memref<16777216xi32, #tpu.memory_space<hbm>> -> memref<16777216xi32, #tpu.memory_space<hbm>>
      tpu.wait_indirect_dma semaphore(%arg38 : memref<!tpu.dma_semaphore, #tpu.memory_space<semaphore_mem>>) src(%dma_wait3A_100 : memref<16777216xi32, #tpu.memory_space<hbm>>) dst(%arg34 : memref<2048xi32, #tpu.memory_space<vmem>>)
      %dma_wait3A_101 = arith.constant 0 : i32
      %dma_wait3A_102 = tpu.memref_slice %arg5[%dma_wait3A_101] : memref<16777216xi32, #tpu.memory_space<hbm>> -> memref<16777216xi32, #tpu.memory_space<hbm>>
      tpu.wait_indirect_dma semaphore(%arg38 : memref<!tpu.dma_semaphore, #tpu.memory_space<semaphore_mem>>) src(%dma_wait3A_102 : memref<16777216xi32, #tpu.memory_space<hbm>>) dst(%arg35 : memref<2048xi32, #tpu.memory_space<vmem>>)
      %add3A_103 = arith.constant 1 : i32
      %add3A_104 = arith.addi %mul3A_32, %add3A_103 : i32
      %scan3A_105 = arith.constant 0 : i32
      %scan3A_106 = arith.constant 0 : i32
      %scan3A_107 = arith.constant 128 : i32
      %scan3A_108 = arith.addi %scan3A_106, %scan3A_107 : i32
      %scan3A_109 = arith.constant 1 : i32
      scf.for %scan3A_116 = %scan3A_106 to %scan3A_108 step %scan3A_109  : i32 {
        %mul3A_117 = arith.constant 16 : i32
        %mul3A_118 = arith.muli %scan3A_116, %mul3A_117 : i32
        %get3A = arith.index_cast %mul3A_118 : i32 to index
        %get3A_119 = tpu.vector_load %arg25[%get3A] {strides = array<i32>} : memref<2048xf32, #tpu.memory_space<vmem>>, vector<16xf32>,
        %get3A_120 = arith.index_cast %mul3A_118 : i32 to index
        %get3A_121 = tpu.vector_load %arg26[%get3A_120] {strides = array<i32>} : memref<2048xf32, #tpu.memory_space<vmem>>, vector<16xf32>,
        %get3A_122 = arith.index_cast %mul3A_118 : i32 to index
        %get3A_123 = tpu.vector_load %arg27[%get3A_122] {strides = array<i32>} : memref<2048xf32, #tpu.memory_space<vmem>>, vector<16xf32>,
        %get3A_124 = arith.index_cast %mul3A_118 : i32 to index
        %get3A_125 = tpu.vector_load %arg32[%get3A_124] {strides = array<i32>} : memref<2048xi32, #tpu.memory_space<vmem>>, vector<16xi32>,
        %bitcast3A = vector.bitcast %get3A_125 : vector<16xi32> to vector<32xbf16>
        %unpack3A = tpu.unpack_subelements %bitcast3A, 0 {pack_format = #tpu.pack_format<interleaved>} : vector<32xbf16> -> vector<16xf32>
        %unpack3A_126 = tpu.unpack_subelements %bitcast3A, 1 {pack_format = #tpu.pack_format<interleaved>} : vector<32xbf16> -> vector<16xf32>
        %sub3A = arith.subf %unpack3A_126, %unpack3A : vector<16xf32>
        %mul3A_127 = arith.mulf %get3A_119, %sub3A : vector<16xf32>
        %add3A_128 = arith.addf %unpack3A, %mul3A_127 : vector<16xf32>
        %get3A_129 = arith.index_cast %mul3A_118 : i32 to index
        %get3A_130 = tpu.vector_load %arg33[%get3A_129] {strides = array<i32>} : memref<2048xi32, #tpu.memory_space<vmem>>, vector<16xi32>,
        %bitcast3A_131 = vector.bitcast %get3A_130 : vector<16xi32> to vector<32xbf16>
        %unpack3A_132 = tpu.unpack_subelements %bitcast3A_131, 0 {pack_format = #tpu.pack_format<interleaved>} : vector<32xbf16> -> vector<16xf32>
        %unpack3A_133 = tpu.unpack_subelements %bitcast3A_131, 1 {pack_format = #tpu.pack_format<interleaved>} : vector<32xbf16> -> vector<16xf32>
        %sub3A_134 = arith.subf %unpack3A_133, %unpack3A_132 : vector<16xf32>
        %mul3A_135 = arith.mulf %get3A_119, %sub3A_134 : vector<16xf32>
        %add3A_136 = arith.addf %unpack3A_132, %mul3A_135 : vector<16xf32>
        %get3A_137 = arith.index_cast %mul3A_118 : i32 to index
        %get3A_138 = tpu.vector_load %arg34[%get3A_137] {strides = array<i32>} : memref<2048xi32, #tpu.memory_space<vmem>>, vector<16xi32>,
        %bitcast3A_139 = vector.bitcast %get3A_138 : vector<16xi32> to vector<32xbf16>
        %unpack3A_140 = tpu.unpack_subelements %bitcast3A_139, 0 {pack_format = #tpu.pack_format<interleaved>} : vector<32xbf16> -> vector<16xf32>
        %unpack3A_141 = tpu.unpack_subelements %bitcast3A_139, 1 {pack_format = #tpu.pack_format<interleaved>} : vector<32xbf16> -> vector<16xf32>
        %sub3A_142 = arith.subf %unpack3A_141, %unpack3A_140 : vector<16xf32>
        %mul3A_143 = arith.mulf %get3A_119, %sub3A_142 : vector<16xf32>
        %add3A_144 = arith.addf %unpack3A_140, %mul3A_143 : vector<16xf32>
        %get3A_145 = arith.index_cast %mul3A_118 : i32 to index
        %get3A_146 = tpu.vector_load %arg35[%get3A_145] {strides = array<i32>} : memref<2048xi32, #tpu.memory_space<vmem>>, vector<16xi32>,
        %bitcast3A_147 = vector.bitcast %get3A_146 : vector<16xi32> to vector<32xbf16>
        %unpack3A_148 = tpu.unpack_subelements %bitcast3A_147, 0 {pack_format = #tpu.pack_format<interleaved>} : vector<32xbf16> -> vector<16xf32>
        %unpack3A_149 = tpu.unpack_subelements %bitcast3A_147, 1 {pack_format = #tpu.pack_format<interleaved>} : vector<32xbf16> -> vector<16xf32>
        %sub3A_150 = arith.subf %unpack3A_149, %unpack3A_148 : vector<16xf32>
        %mul3A_151 = arith.mulf %get3A_119, %sub3A_150 : vector<16xf32>
        %add3A_152 = arith.addf %unpack3A_148, %mul3A_151 : vector<16xf32>
        %sub3A_153 = arith.subf %add3A_136, %add3A_128 : vector<16xf32>
        %mul3A_154 = arith.mulf %get3A_121, %sub3A_153 : vector<16xf32>
        %add3A_155 = arith.addf %add3A_128, %mul3A_154 : vector<16xf32>
        %sub3A_156 = arith.subf %add3A_152, %add3A_144 : vector<16xf32>
        %mul3A_157 = arith.mulf %get3A_121, %sub3A_156 : vector<16xf32>
        %add3A_158 = arith.addf %add3A_144, %mul3A_157 : vector<16xf32>
        %sub3A_159 = arith.subf %add3A_158, %add3A_155 : vector<16xf32>
        %mul3A_160 = arith.mulf %get3A_123, %sub3A_159 : vector<16xf32>
        %add3A_161 = arith.addf %add3A_155, %mul3A_160 : vector<16xf32>
        %swap3A = arith.index_cast %mul3A_118 : i32 to index
        %swap3A_162 = tpu.vector_load %arg36[%swap3A] {strides = array<i32>} : memref<2048xf32, #tpu.memory_space<vmem>>, vector<16xf32>,
        tpu.vector_store %arg36[%swap3A], %add3A_161 {strides = array<i32>} : memref<2048xf32, #tpu.memory_space<vmem>>, vector<16xf32>,
      }
      %scan3A_110 = arith.constant 128 : i32
      %mul3A_111 = arith.constant 65536 : i32
      %mul3A_112 = arith.muli %add3A, %mul3A_111 : i32
      %mul3A_113 = arith.constant 2048 : i32
      %mul3A_114 = arith.muli %add3A_104, %mul3A_113 : i32
      %add3A_115 = arith.addi %mul3A_112, %mul3A_114 : i32
      "tpu.region"() ({
        %run_scoped3A = tpu.sem_alloc : memref<!tpu.dma_semaphore, #tpu.memory_space<semaphore_mem>>
        %dma_start3A_116 = tpu.memref_slice %arg6[%add3A_115] : memref<2097152xf32, #tpu.memory_space<hbm>> -> memref<2048xf32, #tpu.memory_space<hbm>>
        %dma_start3A_117 = tpu.memref_slice %arg6[%add3A_115] : memref<2097152xf32, #tpu.memory_space<hbm>> -> memref<2048xf32, #tpu.memory_space<hbm>>
        tpu.enqueue_dma source(%arg36 : memref<2048xf32, #tpu.memory_space<vmem>>) target(%dma_start3A_117 : memref<2048xf32, #tpu.memory_space<hbm>>) target_semaphore(%run_scoped3A : memref<!tpu.dma_semaphore, #tpu.memory_space<semaphore_mem>>)
        %dma_wait3A_118 = tpu.memref_slice %arg6[%add3A_115] : memref<2097152xf32, #tpu.memory_space<hbm>> -> memref<2048xf32, #tpu.memory_space<hbm>>
        %dma_wait3A_119 = tpu.memref_slice %arg6[%add3A_115] : memref<2097152xf32, #tpu.memory_space<hbm>> -> memref<2048xf32, #tpu.memory_space<hbm>>
        tpu.wait_dma2 semaphore(%run_scoped3A : memref<!tpu.dma_semaphore, #tpu.memory_space<semaphore_mem>>) src(%arg36 : memref<2048xf32, #tpu.memory_space<vmem>>) dst(%dma_wait3A_119 : memref<2048xf32, #tpu.memory_space<hbm>>)
        tpu.yield
      }) : () -> ()
    }
    %scan3A_22 = arith.constant 16 : i32
    %dma_wait3A = arith.constant 0 : i32
    %dma_wait3A_23 = tpu.memref_slice %arg5[%dma_wait3A] : memref<16777216xi32, #tpu.memory_space<hbm>> -> memref<16777216xi32, #tpu.memory_space<hbm>>
    tpu.wait_indirect_dma semaphore(%arg37 : memref<!tpu.dma_semaphore, #tpu.memory_space<semaphore_mem>>) src(%dma_wait3A_23 : memref<16777216xi32, #tpu.memory_space<hbm>>) dst(%arg17 : memref<2048xi32, #tpu.memory_space<vmem>>)
    %dma_wait3A_24 = arith.constant 0 : i32
    %dma_wait3A_25 = tpu.memref_slice %arg5[%dma_wait3A_24] : memref<16777216xi32, #tpu.memory_space<hbm>> -> memref<16777216xi32, #tpu.memory_space<hbm>>
    tpu.wait_indirect_dma semaphore(%arg37 : memref<!tpu.dma_semaphore, #tpu.memory_space<semaphore_mem>>) src(%dma_wait3A_25 : memref<16777216xi32, #tpu.memory_space<hbm>>) dst(%arg18 : memref<2048xi32, #tpu.memory_space<vmem>>)
    %dma_wait3A_26 = arith.constant 0 : i32
    %dma_wait3A_27 = tpu.memref_slice %arg5[%dma_wait3A_26] : memref<16777216xi32, #tpu.memory_space<hbm>> -> memref<16777216xi32, #tpu.memory_space<hbm>>
    tpu.wait_indirect_dma semaphore(%arg37 : memref<!tpu.dma_semaphore, #tpu.memory_space<semaphore_mem>>) src(%dma_wait3A_27 : memref<16777216xi32, #tpu.memory_space<hbm>>) dst(%arg19 : memref<2048xi32, #tpu.memory_space<vmem>>)
    %dma_wait3A_28 = arith.constant 0 : i32
    %dma_wait3A_29 = tpu.memref_slice %arg5[%dma_wait3A_28] : memref<16777216xi32, #tpu.memory_space<hbm>> -> memref<16777216xi32, #tpu.memory_space<hbm>>
    tpu.wait_indirect_dma semaphore(%arg37 : memref<!tpu.dma_semaphore, #tpu.memory_space<semaphore_mem>>) src(%dma_wait3A_29 : memref<16777216xi32, #tpu.memory_space<hbm>>) dst(%arg20 : memref<2048xi32, #tpu.memory_space<vmem>>)
    return
  }
}

</mosaic_0001>

<sc_bundles>
// kernel: kernel.3.cloned.1.call-start
scs
__scs_entry_jumppad:
0x0: {  	(pc) =	sbr.rel $0x88, $3  }
0x1: {  	(tag) =	ssettag $0x0;
	lr =	simm.s32 $0x1  }
0x2: {  	[smem:$0x3F9F] =	sst lr;
	_ =	strace $0xD0000000  }
0x3: {  	_ = 	snop  }
0x4: {  	_ = 	snop  }
0x5: {  	_ = 	snop  }
0x6: {  	_ = 	snop  }
0x7: {  	_ = 	snop  }
__scs_overlays_trampoline_lowered:
0x8: {  	[smem:$0x3FAE] =	sst s0  }
0x9: {  	[smem:$0x3FAF] =	sst s1  }
0xa: {  	[smem:$0x3FB0] =	sst s2  }
0xb: {  	[smem:$0x3FB1] =	sst s3  }
0xc: {  	[smem:$0x3FB2] =	sst s4  }
0xd: {  	[smem:$0x3FB3] =	sst s5  }
0xe: {  	[smem:$0x3FB4] =	sst s6  }
0xf: {  	[smem:$0x3FB5] =	sst s7  }
0x10: {  	[smem:$0x3FB6] =	sst s8  }
0x11: {  	[smem:$0x3FB7] =	sst s9;
	s0 =	simm.s32 @!p0 $0x0  }
0x12: {  	s1 =	sld [smem:$0x3F9D];
	s0 =	simm.s32 @p0 $0x1  }
0x13: {  	[smem:$0x3FB8] =	sst s0;
	s0 =	simm.s32 @!p1 $0x0  }
0x14: {  	s2 =	sld [smem:$0x3F9C];
	s0 =	simm.s32 @p1 $0x1  }
0x15: {  	[smem:$0x3FB9] =	sst s0;
	s0 =	simm.s32 @!p2 $0x0  }
0x16: {  	s3 =	sld [smem:$0x3FDB];
	s0 =	simm.s32 @p2 $0x1  }
0x17: {  	s4 =	simm.s32 $0x1BF5;
	[smem:$0x3FBB] =	sst s0  }
0x18: {  	s0 =	sld [smem:$0x3F9E];
	_ =	swait.ge [sflag:s4], $0x0  }
0x19: {  	s7 =	sld [smem:$0x3F9F]  }
0x1a: {  	s8 =	sadd.s32 $0xFFFFE003, lr  }
0x1b: {  	s9 =	sadd.s32 $0xFFFFFEF7, lr;
	s5 =	simm.s32 $0xFFFFFFFF;
	p2 =	slt.u32 s8, $0xFFFFF086  }
0x1c: {  	p1 =	slt.u32 s9, $0xF7A;
	s5 =	simm.s32 @!p2 $0x0  }
0x1d: {  	s5 =	simm.s32 @p1 $0x1;
	p0 =	seq.s32 s7, s2  }
0x1e: {  	s7 =	smul.u32 @!p0 $0xF7A, s2;
	p2 =	seq.s32 @!p0 s5, $0x0  }
0x1f: {  	s9 =	smul.u32 $0xF7A, s1;
	s8 =	simm.s32 @!p0 $0x1BF5;
	p2 =	por !p2, p0  }
0x20: {  	[sflag:s8] =	ssyncset.s32 @!p0 $0xFFFFF086;
	s6 =	sadd.s32 @!p0 s3, s7;
	s7 =	simm.s32 @!p0 $0x108  }
0x21: {  	s3 =	sadd.s32 s3, s9;
	s6 =	sadd.s32 @!p0 $0x88, s6;
	s7 =	simm.s32 @p2 $0x1082  }
0x22: {  	[simem:s7], [sflag:s8] =	dma.local @!p0 [hbm:s6], $0xF7A  }
0x23: {  	s9 =	sor.u32 $0xD0000000, s2;
	s6 =	simm.s32 $0x108;
	_ =	swait.ge @!p0 [sflag:s8], $0x0  }
0x24: {  	s3 =	sadd.s32 $0x88, s3;
	s6 =	simm.s32 @!p1 $0x1082;
	[sflag:s4] =	ssyncset.s32 $0xFFFFF086  }
0x25: {  	[simem:s6], [sflag:s4] =	dma.local [hbm:s3], $0xF7A  }
0x26: {  	[smem:$0x3F9F] =	sst s1;
	(tag) =	ssettag s2;
	_ =	strace s9  }
0x27: {  	s1 =	sld [smem:$0x3FAF]  }
0x28: {  	s2 =	sld [smem:$0x3FB0]  }
0x29: {  	s4 =	sld [smem:$0x3FB2]  }
0x2a: {  	p0 =	seq.s32 s5, $0x0;
	s5 =	sld [smem:$0x3FB3]  }
0x2b: {  	s6 =	sld [smem:$0x3FB4]  }
0x2c: {  	s7 =	sld [smem:$0x3FB5]  }
0x2d: {  	s3 =	simm.s32 $0x108;
	s8 =	sld [smem:$0x3FB6]  }
0x2e: {  	s3 =	simm.s32 @!p0 $0x1082;
	s9 =	sld [smem:$0x3FB7]  }
0x2f: {  	lr =	sadd.s32 s0, s3;
	s0 =	sld [smem:$0x3FAE]  }
0x30: {  	s3 =	sld [smem:$0x3FB1]  }
0x31: {  	[smem:$0x3FBA] =	sst s10  }
0x32: {  	s10 =	sld [smem:$0x3FB8];
	_ =	sdelay $0x3  }
0x33: {  	p0 =	seq.s32 s10, $0x1;
	s10 =	sld [smem:$0x3FBA];
	_ =	sdelay $0x3  }
0x34: {  	[smem:$0x3FBA] =	sst s10  }
0x35: {  	s10 =	sld [smem:$0x3FB9];
	_ =	sdelay $0x3  }
0x36: {  	p1 =	seq.s32 s10, $0x1;
	s10 =	sld [smem:$0x3FBA];
	_ =	sdelay $0x3  }
0x37: {  	[smem:$0x3FBA] =	sst s10  }
0x38: {  	s10 =	sld [smem:$0x3FBB]  }
0x39: {  	_ = 	snop;
	(pc) =	sbr.ind lr, $3  }
0x3a: {  	_ = 	snop  }
0x3b: {  	_ = 	snop  }
0x3c: {  	p2 =	seq.s32 s10, $0x1;
	s10 =	sld [smem:$0x3FBA]  }
0x3d: {  	_ =	shalt  }
0x3e: {  	_ =	shalt  }
0x3f: {  	_ =	shalt  }
0x40: {  	_ =	shalt  }
0x41: {  	_ =	shalt  }
0x42: {  	_ =	shalt  }
0x43: {  	_ =	shalt  }
0x44: {  	_ =	shalt  }
0x45: {  	_ =	shalt  }
0x46: {  	_ =	shalt  }
0x47: {  	_ =	shalt  }
0x48: {  	_ =	shalt  }
0x49: {  	_ =	shalt  }
0x4a: {  	_ =	shalt  }
0x4b: {  	_ =	shalt  }
0x4c: {  	_ =	shalt  }
0x4d: {  	_ =	shalt  }
0x4e: {  	_ =	shalt  }
0x4f: {  	_ =	shalt  }
0x50: {  	_ =	shalt  }
0x51: {  	_ =	shalt  }
0x52: {  	_ =	shalt  }
0x53: {  	_ =	shalt  }
0x54: {  	_ =	shalt  }
0x55: {  	_ =	shalt  }
0x56: {  	_ =	shalt  }
0x57: {  	_ =	shalt  }
0x58: {  	_ =	shalt  }
0x59: {  	_ =	shalt  }
0x5a: {  	_ =	shalt  }
0x5b: {  	_ =	shalt  }
0x5c: {  	_ =	shalt  }
0x5d: {  	_ =	shalt  }
0x5e: {  	_ =	shalt  }
0x5f: {  	_ =	shalt  }
0x60: {  	_ =	shalt  }
0x61: {  	_ =	shalt  }
0x62: {  	_ =	shalt  }
0x63: {  	_ =	shalt  }
0x64: {  	_ =	shalt  }
0x65: {  	_ =	shalt  }
0x66: {  	_ =	shalt  }
0x67: {  	_ =	shalt  }
0x68: {  	_ =	shalt  }
0x69: {  	_ =	shalt  }
0x6a: {  	_ =	shalt  }
0x6b: {  	_ =	shalt  }
0x6c: {  	_ =	shalt  }
0x6d: {  	_ =	shalt  }
0x6e: {  	_ =	shalt  }
0x6f: {  	_ =	shalt  }
0x70: {  	_ =	shalt  }
0x71: {  	_ =	shalt  }
0x72: {  	_ =	shalt  }
0x73: {  	_ =	shalt  }
0x74: {  	_ =	shalt  }
0x75: {  	_ =	shalt  }
0x76: {  	_ =	shalt  }
0x77: {  	_ =	shalt  }
0x78: {  	_ =	shalt  }
0x79: {  	_ =	shalt  }
0x7a: {  	_ =	shalt  }
0x7b: {  	_ =	shalt  }
0x7c: {  	_ =	shalt  }
0x7d: {  	_ =	shalt  }
0x7e: {  	_ =	shalt  }
0x7f: {  	_ =	shalt  }
0x80: {  	_ =	shalt  }
0x81: {  	_ =	shalt  }
0x82: {  	_ =	shalt  }
0x83: {  	_ =	shalt  }
0x84: {  	_ =	shalt  }
0x85: {  	_ =	shalt  }
0x86: {  	_ =	shalt  }
0x87: {  	_ =	shalt  }
.Lfunc_end0:
.L_simem_size_0:
called_computation.1_lowered:
.L_overlay_start_0:
0x88: {  	s2 =	sld [smem:$0x3FD9]  }
0x89: {  	s3 =	sld [smem:$0x3FFE];
	_ =	sdelay $0x1  }
0x8a: {  	s1 =	srdreg.scid  }
0x8b: {  	s0 =	sand.u32 $0x1, s1  }
0x8c: {  	s17 =	sshll.u32 s0, $0xA;
	s2 =	sadd.s32 s3, s2  }
0x8d: {  	s2 =	sadd.s32 s2, s17  }
0x8e: {  	[smem:$0x3FC6] =	sst s2  }
0x8f: {  	_ = 	snop  }
0x90: {  	s2 =	sld [smem:$0x3FD0];
	(tm) =	ssettm $0x1  }
0x91: {  	s18 =	sld [smem:$0x3FFB];
	_ =	sdelay $0x3  }
0x92: {  	_ =	strace s18  }
0x93: {  	s3 =	sld [smem:$0x3FFC];
	_ =	sdelay $0x3  }
0x94: {  	_ =	strace s3  }
0x95: {  	s3 =	sld [smem:$0x3FFD];
	_ =	sdelay $0x3  }
0x96: {  	_ =	strace s3  }
0x97: {  	_ =	strace $0x8FFFFFFF  }
0x98: {  	s19 =	sld [smem:$0x3FDB];
	_ =	sdelay $0x1  }
0x99: {  	s4 =	simm.s32 $_scs_section_size  }
0x9a: {  	s5 =	simm.s32 $_size__tile_overlayer_lowered;
	s6 =	simm.s32 $_tile_overlayer_lowered  }
0x9b: {  	s22 =	simm.s32 $0x1BFF;
	s21 =	sshll.u32 s6, $0x1;
	s3 =	sadd.s32 s4, s19  }
0x9c: {  	s7 =	simm.s32 $0x0;
	s20 =	sshll.u32 s5, $0x1;
	s5 =	sadd.s32 s21, s3  }
0x9d: {  	[timem:s7], [sflag:s22] =	dma.local [hbm:s5], s20  }
0x9e: {  	_ =	swait.ge [sflag:s22], s20  }
0x9f: {  	s4 =	ssub.s32 $0x0, s20;
	[sflag:s22] =	ssyncset.done $0x0  }
0xa0: {  	[sflag:s22] =	ssyncadd.s32 s4;
	_ =	sdelay $0x1  }
0xa1: {  	s23 =	simm.s32 $0x1B8B  }
0xa2: {  	_ =	swait.ge [sflag:s23], $0x1  }
0xa3: {  	[sflag:s23] =	ssyncset.done $0x0  }
0xa4: {  	s25 =	simm.s32 $0x1B8E;
	s24 =	sld [smem:$0x3FFE];
	[sflag:s23] =	ssyncadd.s32 $0xFFFFFFFF  }
0xa5: {  	s26 =	simm.s32 $execute0_lowered;
	[smem:$0x3FD2] =	sst s25  }
0xa6: {  	s5 =	sshll.u32 s26, $0x1;
	_ =	strace $0x80000049;
	[dreg:$0x1] =	wrdreg $0xFFFFFFFF  }
0xa7: {  	s28 =	simm.s32 $_size_execute0_lowered;
	s3 =	sadd.s32 s3, s5;
	[dreg:$0x0] =	wrdreg $0x0  }
0xa8: {  	s5 =	sshll.u32 s28, $0x1;
	[dreg:$0x2] =	wrdreg s3  }
0xa9: {  	[dreg:$0x3] =	wrdreg s5  }
0xaa: {  	[dreg:$0x4] =	wrdreg $0xC0  }
0xab: {  	_ =	task [dreg:s7], $0x5FFFF  }
0xac: {  	[dreg:$0x1] =	wrdreg $0xFFFFFFFF  }
0xad: {  	[dreg:$0x0] =	wrdreg $0x60  }
0xae: {  	[dreg:$0x2] =	wrdreg s24  }
0xaf: {  	[dreg:$0x3] =	wrdreg s2  }
0xb0: {  	[dreg:$0x4] =	wrdreg $0x9  }
0xb1: {  	_ =	task.clear_ibuf [dreg:s7], $0x5FFFF;
	_ =	strace $0x90000049  }
0xb2: {  	s29 =	simm.s32 $0x9;
	_ =	strace $0x8000004B  }
0xb3: {  	_ =	swait.ge [sflag:s29], $0x1  }
0xb4: {  	[sflag:s29] =	ssyncadd.s32 $0xFFFFFFFF  }
0xb5: {  	_ =	strace $0x9000004B  }
0xb6: {  	_ =	sfence  }
0xb7: {  	s30 =	sld [smem:$0x0];
	_ =	sdelay $0x2  }
0xb8: {  	s31 =	sshll.u32 s1, $0xD;
	s1 =	sshrl.u32 s1, $0x2  }
0xb9: {  	s3 =	sand.u32 $0x4000, s31;
	s1 =	sadd.s32 s1, s30  }
0xba: {  	s0 =	sor.u32 s3, s0;
	s1 =	sshll.u32 s1, $0x11  }
0xbb: {  	s0 =	sor.u32 s1, s0  }
0xbc: {  	s0 =	sadd.s32 $0x8F2B, s0  }
0xbd: {  	[sflag:s0] =	ssyncadd.remote.s32 $0x1  }
0xbe: {  	_ =	sfence.sel $0xFFFF  }
0xbf: {  	[dreg:$0x0] =	wrdreg $0xFFFFFFFF;
	(pc) =	sbr.abs _section_cstart, $3  }
0xc0: {  	[dreg:$0x1] =	wrdreg $0xFFFFFFFF  }
0xc1: {  	_ =	task.clear_ibuf [dreg:s7], $0x2FFFF;
	_ =	strace $0x9FFFFFFF  }
0xc2: {  	(tm) =	ssettm $0x7FFFFFFF  }
0xc3: {  	_ =	shalt  }
tec
execute0_lowered:
.L_overlay_start_1:
0x0: {  	(tag) =	ssettag $0x1  }
0x1: {  	s0 =	rddreg [dreg:$0x0]  }
0x2: {  	s1 =	rddreg [dreg:$0x1];
	s3 =	simm.s32 $0x0;
	s2 =	srdreg.scid  }
0x3: {  	s5 =	stileid.u32;
	s13 =	simm.s32 $0x3;
	s14 =	simm.s32 $0x800  }
0x4: {  	s15 =	simm.s32 $0x1000;
	s16 =	simm.s32 $0x3000;
	s17 =	simm.s32 $0x5000  }
0x5: {  	s18 =	simm.s32 $0x3800;
	s19 =	simm.s32 $0x5800;
	s20 =	simm.s32 $0x4000  }
0x6: {  	s21 =	simm.s32 $0x6000;
	s22 =	simm.s32 $0x4800;
	s23 =	simm.s32 $0x6800  }
0x7: {  	s11 =	simm.s32 $0x1;
	s24 =	simm.s32 $0x2;
	s2 =	sand.u32 $0x1, s2  }
0x8: {  	s25 =	simm.s32 $0xE800;
	s6 =	sshll.u32 s5, $0x11;
	s7 =	sshll.u32 s2, $0x10  }
0x9: {  	[smem:$0x7FF] =	sst s3;
	s4 =	sadd.s32 $0x280C00, s0;
	s6 =	sor.u32 s7, s6  }
0xa: {  	s5 =	sadd.s32 $0x240C00, s0;
	_ =	strace $0x8000004A;
	s10 =	sshrl.u32 s6, $0x3  }
0xb: {  	s2 =	ssub.s32 $0x2, s2;
	s7 =	sadd.s32 $0x200C00, s0;
	s29 =	sadd.s32 s4, s10  }
0xc: {  	s9 =	sshrl.u32 s2, $0x1;
	s30 =	sadd.s32 s5, s10;
	[dreg:$0x3] =	wrdreg s29  }
0xd: {  	s28 =	ssub.s32 s2, s9;
	s31 =	sadd.s32 s7, s10;
	[dreg:$0x4] =	wrdreg s30  }
0xe: {  	s8 =	sadd.s32 $0x2C0C00, s0;
	s0 =	smax.u32 s28, $0x1;
	[dreg:$0x5] =	wrdreg s31  }
0xf: {  	s26 =	simm.s32 $0x0;
	s2 =	simm.s32 $0x0;
	[dreg:$0x6] =	wrdreg s0  }
.LBB2_1:
0x10: {  	[dreg:$0x7] =	wrdreg s2  }
0x11: {  	s0 =	rddreg [dreg:$0x3]  }
0x12: {  	[tilespmem:s3], [sflag:$0x3] =	stream.linear.gather [hbm4b:s0+s3], $0x800, $0x38;
	[tilespmem:$0xF000] =	vst v63  }
0x13: {  	_ =	swait.ge [sflag:s13], $0x800  }
0x14: {  	[sflag:s13] =	ssyncset.done $0x0  }
0x15: {  	s30 =	rddreg [dreg:$0x4];
	[sflag:s13] =	ssyncadd.s32 $0xFFFFF800  }
0x16: {  	[tilespmem:s14], [sflag:$0x3] =	stream.linear.gather [hbm4b:s30+s3], $0x800, $0x38;
	[tilespmem:$0xF000] =	vst v63  }
0x17: {  	_ =	swait.ge [sflag:s13], $0x800  }
0x18: {  	[sflag:s13] =	ssyncset.done $0x0  }
0x19: {  	s31 =	rddreg [dreg:$0x5];
	[sflag:s13] =	ssyncadd.s32 $0xFFFFF800  }
0x1a: {  	[tilespmem:s15], [sflag:$0x3] =	stream.linear.gather [hbm4b:s31+s3], $0x800, $0x38;
	[tilespmem:$0xF000] =	vst v63  }
0x1b: {  	_ =	swait.ge [sflag:s13], $0x800  }
0x1c: {  	[sflag:s13] =	ssyncset.done $0x0  }
0x1d: {  	s2 =	simm.s32 $0x0;
	[sflag:s13] =	ssyncadd.s32 $0xFFFFF800  }
0x1e: {  	v0 =	vld [tilespmem:s2+$0x0]  }
0x1f: {  	v1 =	vld [tilespmem:s2+$0x800]  }
0x20: {  	v2 =	vld [tilespmem:s2+$0x1000];
	_ =	sdelay $0x3  }
0x21: {  	v0 =	vadd.f32 $1.000000000e+00, v0;
	v1 =	vadd.f32 $1.000000000e+00, v1  }
0x22: {  	v2 =	vadd.f32 $1.000000000e+00, v2  }
0x23: {  	s0 =	simm.s32 $0x10;
	v0 =	vmul.f32 $5.000000000e-01, v0;
	v1 =	vmul.f32 $5.000000000e-01, v1  }
0x24: {  	v3 =	vld [tilespmem:s0+$0x0];
	v2 =	vmul.f32 $5.000000000e-01, v2  }
0x25: {  	v4 =	vld [tilespmem:s0+$0x800];
	v0 =	vmul.f32 $2.550000000e+02, v0;
	v5 =	vmul.f32 $2.550000000e+02, v1  }
0x26: {  	v1 =	vmul.f32 $2.550000000e+02, v2  }
0x27: {  	v2 =	vld [tilespmem:s0+$0x1000];
	v6 =	vtrunc.f32 v0;
	v7 =	vtrunc.f32 v5  }
0x28: {  	v8 =	vtrunc.f32 v1;
	v7 =	vcvt.f32.s32 v7  }
0x29: {  	v6 =	vcvt.f32.s32 v6;
	v9 =	vcvt.f32.s32 v8  }
0x2a: {  	v4 =	vadd.f32 $1.000000000e+00, v4;
	v8 =	vadd.f32 $1.000000000e+00, v3;
	v3 =	vshll.u32 v7, $0x8  }
0x2b: {  	v10 =	vcvt.s32.f32 v7;
	v7 =	vshll.u32 v9, $0x10;
	v3 =	vadd.s32 v6, v3  }
0x2c: {  	v2 =	vadd.f32 $1.000000000e+00, v2;
	v11 =	vcvt.s32.f32 v6;
	v3 =	vadd.s32 v7, v3  }
0x2d: {  	v13 =	vmul.f32 $5.000000000e-01, v4;
	v12 =	vmul.f32 $5.000000000e-01, v8;
	[tilespmem:s2+$0x3000] =	vst v3;
	v4 =	vadd.s32 $0x10100, v3  }
0x2e: {  	s9 =	simm.s32 $0x20;
	v6 =	vmul.f32 $5.000000000e-01, v2;
	v8 =	vsub.f32 v0, v11;
	v7 =	vcvt.s32.f32 v9;
	[tilespmem:s2+$0x4800] =	vst v4  }
0x2f: {  	s10 =	simm.s32 $0xC0;
	v2 =	vmul.f32 $2.550000000e+02, v12;
	v0 =	vmul.f32 $2.550000000e+02, v13;
	v5 =	vsub.f32 v5, v10;
	v4 =	vld [tilespmem:s9+$0x0]  }
.LBB2_2:
0x30: {  	p0 =	sne.s32 s10, $0x1FC0;
	v9 =	vld [tilespmem:s9+$0x800];
	[tilespmem:s2+$0x1800] =	vst v8;
	v7 =	vsub.f32 v1, v7;
	v1 =	vmul.f32 $2.550000000e+02, v6;
	v6 =	vadd.s32 $0x100, v3  }
0x31: {  	v3 =	vadd.s32 $0x10000, v3;
	v8 =	vld [tilespmem:s9+$0x1000];
	v10 =	vtrunc.f32 v2;
	v11 =	vtrunc.f32 v0;
	[tilespmem:s2+$0x2000] =	vst v5  }
0x32: {  	v5 =	vcvt.f32.s32 v11;
	v11 =	vtrunc.f32 v1;
	[tilespmem:s2+$0x2800] =	vst v7  }
0x33: {  	v7 =	vcvt.f32.s32 v10;
	v10 =	vcvt.f32.s32 v11;
	[tilespmem:s2+$0x3800] =	vst v6  }
0x34: {  	v4 =	vadd.f32 $1.000000000e+00, v4;
	v11 =	vcvt.s32.f32 v5;
	v5 =	vshll.u32 v5, $0x8;
	[tilespmem:s2+$0x4000] =	vst v3;
	s2 =	smov.u32 s0;
	s0 =	smov.u32 s9  }
.Ltmp0:
0x35: {  	v6 =	vadd.f32 $1.000000000e+00, v9;
	v3 =	vshll.u32 v10, $0x10;
	v5 =	vadd.s32 v7, v5;
	(pc) =	sbr.rel @p0 .LBB2_2-.Ltmp0, $4  }
0x36: {  	v7 =	vcvt.s32.f32 v7;
	v8 =	vadd.f32 $1.000000000e+00, v8;
	v3 =	vadd.s32 v3, v5  }
0x37: {  	v5 =	vmul.f32 $5.000000000e-01, v4;
	v9 =	vmul.f32 $5.000000000e-01, v6;
	[tilespmem:s2+$0x3000] =	vst v3;
	v4 =	vadd.s32 $0x10100, v3  }
0x38: {  	s9 =	sshra.s32 s10, $0x2;
	v6 =	vmul.f32 $5.000000000e-01, v8;
	v8 =	vsub.f32 v2, v7;
	v7 =	vcvt.s32.f32 v10;
	[tilespmem:s2+$0x4800] =	vst v4  }
0x39: {  	s10 =	sadd.s32 $0x40, s10;
	v2 =	vmul.f32 $2.550000000e+02, v5;
	v5 =	vsub.f32 v0, v11;
	v4 =	vld [tilespmem:s9+$0x0];
	v0 =	vmul.f32 $2.550000000e+02, v9  }
0x3a: {  	v9 =	vld [tilespmem:s9+$0x800];
	[tilespmem:s2+$0x1800] =	vst v8  }
0x3b: {  	v6 =	vmul.f32 $2.550000000e+02, v6;
	v8 =	vld [tilespmem:s9+$0x1000];
	v10 =	vtrunc.f32 v0  }
0x3c: {  	v1 =	vsub.f32 v1, v7;
	v39 =	vtrunc.f32 v2;
	v10 =	vcvt.f32.s32 v10  }
0x3d: {  	v11 =	vadd.s32 $0x100, v3;
	v12 =	vtrunc.f32 v6;
	v7 =	vcvt.f32.s32 v39  }
0x3e: {  	v12 =	vcvt.f32.s32 v12;
	v4 =	vadd.f32 $1.000000000e+00, v4;
	v41 =	vshll.u32 v10, $0x8  }
0x3f: {  	v13 =	vcvt.s32.f32 v10;
	v9 =	vadd.f32 $1.000000000e+00, v9;
	v43 =	vadd.s32 v7, v41  }
0x40: {  	[tilespmem:s2+$0x2000] =	vst v5;
	v7 =	vcvt.s32.f32 v7;
	v8 =	vadd.f32 $1.000000000e+00, v8;
	v4 =	vmul.f32 $5.000000000e-01, v4  }
0x41: {  	v40 =	vadd.s32 $0x10000, v3;
	[tilespmem:s2+$0x3800] =	vst v11;
	v47 =	vcvt.s32.f32 v12;
	v44 =	vmul.f32 $5.000000000e-01, v9  }
0x42: {  	[tilespmem:s2+$0x4000] =	vst v40;
	v42 =	vshll.u32 v12, $0x10;
	v8 =	vmul.f32 $5.000000000e-01, v8;
	v4 =	vmul.f32 $2.550000000e+02, v4  }
0x43: {  	[tilespmem:s2+$0x2800] =	vst v1;
	v1 =	vadd.s32 v42, v43;
	v48 =	vsub.f32 v0, v13;
	v5 =	vmul.f32 $2.550000000e+02, v44  }
0x44: {  	v45 =	vadd.s32 $0x10100, v1;
	[tilespmem:s0+$0x3000] =	vst v1;
	v8 =	vmul.f32 $2.550000000e+02, v8;
	v49 =	vtrunc.f32 v4  }
0x45: {  	[tilespmem:s0+$0x4800] =	vst v45;
	v50 =	vtrunc.f32 v5;
	v54 =	vcvt.f32.s32 v49  }
0x46: {  	v56 =	vadd.s32 $0x100, v1;
	[tilespmem:s0+$0x2000] =	vst v48;
	v52 =	vcvt.f32.s32 v50;
	v53 =	vtrunc.f32 v8  }
0x47: {  	v46 =	vsub.f32 v2, v7;
	v1 =	vadd.s32 $0x10000, v1;
	[tilespmem:s0+$0x3800] =	vst v56;
	v55 =	vcvt.f32.s32 v53  }
0x48: {  	v51 =	vsub.f32 v6, v47;
	[tilespmem:s0+$0x4000] =	vst v1;
	v0 =	vcvt.s32.f32 v54;
	v57 =	vshll.u32 v52, $0x8  }
0x49: {  	[tilespmem:s0+$0x1800] =	vst v46;
	v58 =	vshll.u32 v55, $0x10;
	v2 =	vadd.s32 v54, v57  }
0x4a: {  	[tilespmem:s0+$0x2800] =	vst v51;
	v6 =	vcvt.s32.f32 v52;
	v0 =	vsub.f32 v4, v0;
	v59 =	vadd.s32 v58, v2  }
0x4b: {  	[tilespmem:s9+$0x3000] =	vst v59  }
0x4c: {  	v60 =	vsub.f32 v5, v6;
	v2 =	vadd.s32 $0x10100, v59;
	[tilespmem:s9+$0x1800] =	vst v0  }
0x4d: {  	v3 =	vcvt.s32.f32 v55;
	[tilespmem:s9+$0x4800] =	vst v2  }
0x4e: {  	v62 =	vadd.s32 $0x100, v59;
	[tilespmem:s9+$0x2000] =	vst v60  }
0x4f: {  	v61 =	vsub.f32 v8, v3;
	v63 =	vadd.s32 $0x10000, v59;
	[tilespmem:s9+$0x3800] =	vst v62  }
0x50: {  	[tilespmem:s9+$0x4000] =	vst v63  }
0x51: {  	[tilespmem:s9+$0x2800] =	vst v61  }
0x52: {  	[tilespmem:s17], [sflag:$0x1] =	stream.indirect.gather [hbm4b:s8+s14], $0x1, s16, s14, $0xb8;
	[tilespmem:$0xF000] =	vst v63  }
0x53: {  	_ = 	snop  }
0x54: {  	[tilespmem:s19], [sflag:$0x1] =	stream.indirect.gather [hbm4b:s8+s14], $0x1, s18, s14, $0xb8;
	[tilespmem:$0xF000] =	vst v63  }
0x55: {  	_ = 	snop  }
0x56: {  	[tilespmem:s21], [sflag:$0x1] =	stream.indirect.gather [hbm4b:s8+s14], $0x1, s20, s14, $0xb8;
	[tilespmem:$0xF000] =	vst v63  }
0x57: {  	s28 =	simm.s32 $0x0  }
0x58: {  	[tilespmem:s23], [sflag:$0x1] =	stream.indirect.gather [hbm4b:s8+s14], $0x1, s22, s14, $0xb8;
	[tilespmem:$0xF000] =	vst v63  }
.LBB2_4:
0x59: {  	s30 =	sshll.u32 s28, $0xC  }
0x5a: {  	s0 =	sor.u32 s30, s6  }
0x5b: {  	s31 =	sshrl.u32 s0, $0x3  }
0x5c: {  	s29 =	sor.u32 $0x100, s31  }
0x5d: {  	s2 =	simm.s32 $0x7800;
	s12 =	sadd.s32 s4, s29  }
0x5e: {  	[tilespmem:s2], [sflag:$0x3] =	stream.linear.gather [hbm4b:s12+s26], $0x800, $0x38;
	[tilespmem:$0xF000] =	vst v63  }
0x5f: {  	_ =	swait.ge [sflag:s13], $0x800  }
0x60: {  	[sflag:s13] =	ssyncset.done $0x0  }
0x61: {  	s9 =	simm.s32 $0x8000;
	s2 =	sadd.s32 s5, s29;
	[sflag:s13] =	ssyncadd.s32 $0xFFFFF800  }
0x62: {  	[tilespmem:s9], [sflag:$0x3] =	stream.linear.gather [hbm4b:s2+s26], $0x800, $0x38;
	[tilespmem:$0xF000] =	vst v63  }
0x63: {  	_ =	swait.ge [sflag:s13], $0x800  }
0x64: {  	[sflag:s13] =	ssyncset.done $0x0  }
0x65: {  	s10 =	sadd.s32 s7, s29;
	s12 =	simm.s32 $0x8800;
	[sflag:s13] =	ssyncadd.s32 $0xFFFFF800  }
0x66: {  	[tilespmem:s12], [sflag:$0x3] =	stream.linear.gather [hbm4b:s10+s26], $0x800, $0x38;
	[tilespmem:$0xF000] =	vst v63  }
0x67: {  	_ =	swait.ge [sflag:s13], $0x800  }
0x68: {  	[sflag:s13] =	ssyncset.done $0x0  }
0x69: {  	s2 =	simm.s32 $0x0;
	[sflag:s13] =	ssyncadd.s32 $0xFFFFF800  }
0x6a: {  	v0 =	vld [tilespmem:s2+$0x7800]  }
0x6b: {  	v1 =	vld [tilespmem:s2+$0x8000]  }
0x6c: {  	v2 =	vld [tilespmem:s2+$0x8800];
	_ =	sdelay $0x3  }
0x6d: {  	v0 =	vadd.f32 $1.000000000e+00, v0;
	v1 =	vadd.f32 $1.000000000e+00, v1  }
0x6e: {  	v2 =	vadd.f32 $1.000000000e+00, v2  }
0x6f: {  	s0 =	simm.s32 $0x10;
	v0 =	vmul.f32 $5.000000000e-01, v0;
	v1 =	vmul.f32 $5.000000000e-01, v1  }
0x70: {  	v3 =	vld [tilespmem:s0+$0x7800];
	v2 =	vmul.f32 $5.000000000e-01, v2  }
0x71: {  	v4 =	vld [tilespmem:s0+$0x8000];
	v0 =	vmul.f32 $2.550000000e+02, v0;
	v5 =	vmul.f32 $2.550000000e+02, v1  }
0x72: {  	v1 =	vmul.f32 $2.550000000e+02, v2  }
0x73: {  	v2 =	vld [tilespmem:s0+$0x8800];
	v6 =	vtrunc.f32 v0;
	v7 =	vtrunc.f32 v5  }
0x74: {  	v8 =	vtrunc.f32 v1;
	v7 =	vcvt.f32.s32 v7  }
0x75: {  	v6 =	vcvt.f32.s32 v6;
	v9 =	vcvt.f32.s32 v8  }
0x76: {  	v4 =	vadd.f32 $1.000000000e+00, v4;
	v8 =	vadd.f32 $1.000000000e+00, v3;
	v3 =	vshll.u32 v7, $0x8  }
0x77: {  	v10 =	vcvt.s32.f32 v7;
	v7 =	vshll.u32 v9, $0x10;
	v3 =	vadd.s32 v6, v3  }
0x78: {  	v2 =	vadd.f32 $1.000000000e+00, v2;
	v11 =	vcvt.s32.f32 v6;
	v3 =	vadd.s32 v7, v3  }
0x79: {  	v13 =	vmul.f32 $5.000000000e-01, v4;
	v12 =	vmul.f32 $5.000000000e-01, v8;
	[tilespmem:s2+$0xA800] =	vst v3;
	v4 =	vadd.s32 $0x10100, v3  }
0x7a: {  	s9 =	simm.s32 $0x20;
	v6 =	vmul.f32 $5.000000000e-01, v2;
	v8 =	vsub.f32 v0, v11;
	v7 =	vcvt.s32.f32 v9;
	[tilespmem:s2+$0xC000] =	vst v4  }
0x7b: {  	s10 =	simm.s32 $0xC0;
	v2 =	vmul.f32 $2.550000000e+02, v12;
	v0 =	vmul.f32 $2.550000000e+02, v13;
	v5 =	vsub.f32 v5, v10;
	v4 =	vld [tilespmem:s9+$0x7800]  }
.LBB2_5:
0x7c: {  	p0 =	sne.s32 s10, $0x1FC0;
	v9 =	vld [tilespmem:s9+$0x8000];
	[tilespmem:s2+$0x9000] =	vst v8;
	v7 =	vsub.f32 v1, v7;
	v1 =	vmul.f32 $2.550000000e+02, v6;
	v6 =	vadd.s32 $0x100, v3  }
0x7d: {  	v3 =	vadd.s32 $0x10000, v3;
	v8 =	vld [tilespmem:s9+$0x8800];
	v10 =	vtrunc.f32 v2;
	v11 =	vtrunc.f32 v0;
	[tilespmem:s2+$0x9800] =	vst v5  }
0x7e: {  	v5 =	vcvt.f32.s32 v11;
	v11 =	vtrunc.f32 v1;
	[tilespmem:s2+$0xA000] =	vst v7  }
0x7f: {  	v7 =	vcvt.f32.s32 v10;
	v10 =	vcvt.f32.s32 v11;
	[tilespmem:s2+$0xB000] =	vst v6  }
0x80: {  	v4 =	vadd.f32 $1.000000000e+00, v4;
	v11 =	vcvt.s32.f32 v5;
	v5 =	vshll.u32 v5, $0x8;
	[tilespmem:s2+$0xB800] =	vst v3;
	s2 =	smov.u32 s0;
	s0 =	smov.u32 s9  }
.Ltmp1:
0x81: {  	v6 =	vadd.f32 $1.000000000e+00, v9;
	v3 =	vshll.u32 v10, $0x10;
	v5 =	vadd.s32 v7, v5;
	(pc) =	sbr.rel @p0 .LBB2_5-.Ltmp1, $4  }
0x82: {  	v7 =	vcvt.s32.f32 v7;
	v8 =	vadd.f32 $1.000000000e+00, v8;
	v3 =	vadd.s32 v3, v5  }
0x83: {  	v5 =	vmul.f32 $5.000000000e-01, v4;
	v9 =	vmul.f32 $5.000000000e-01, v6;
	[tilespmem:s2+$0xA800] =	vst v3;
	v4 =	vadd.s32 $0x10100, v3  }
0x84: {  	s9 =	sshra.s32 s10, $0x2;
	v6 =	vmul.f32 $5.000000000e-01, v8;
	v8 =	vsub.f32 v2, v7;
	v7 =	vcvt.s32.f32 v10;
	[tilespmem:s2+$0xC000] =	vst v4  }
0x85: {  	s10 =	sadd.s32 $0x40, s10;
	v2 =	vmul.f32 $2.550000000e+02, v5;
	v5 =	vsub.f32 v0, v11;
	v4 =	vld [tilespmem:s9+$0x7800];
	v0 =	vmul.f32 $2.550000000e+02, v9  }
0x86: {  	v9 =	vld [tilespmem:s9+$0x8000];
	[tilespmem:s2+$0x9000] =	vst v8  }
0x87: {  	v6 =	vmul.f32 $2.550000000e+02, v6;
	v8 =	vld [tilespmem:s9+$0x8800]  }
0x88: {  	v1 =	vsub.f32 v1, v7;
	v7 =	vtrunc.f32 v2;
	v10 =	vtrunc.f32 v0  }
0x89: {  	v11 =	vadd.s32 $0x100, v3;
	v10 =	vcvt.f32.s32 v10;
	v12 =	vtrunc.f32 v6  }
0x8a: {  	v3 =	vadd.s32 $0x10000, v3;
	v7 =	vcvt.f32.s32 v7;
	v12 =	vcvt.f32.s32 v12  }
0x8b: {  	v4 =	vadd.f32 $1.000000000e+00, v4;
	v13 =	vcvt.s32.f32 v10;
	v9 =	vadd.f32 $1.000000000e+00, v9  }
0x8c: {  	[tilespmem:s2+$0x9800] =	vst v5;
	v5 =	vshll.u32 v10, $0x8;
	v10 =	vshll.u32 v12, $0x10;
	v8 =	vadd.f32 $1.000000000e+00, v8  }
0x8d: {  	[tilespmem:s2+$0xA000] =	vst v1;
	v1 =	vadd.s32 v7, v5;
	v4 =	vmul.f32 $5.000000000e-01, v4;
	v5 =	vmul.f32 $5.000000000e-01, v9  }
0x8e: {  	[tilespmem:s2+$0xB000] =	vst v11;
	v7 =	vcvt.s32.f32 v7;
	v1 =	vadd.s32 v10, v1;
	v8 =	vmul.f32 $5.000000000e-01, v8  }
0x8f: {  	[tilespmem:s2+$0xB800] =	vst v3;
	v3 =	vadd.s32 $0x10100, v1;
	v4 =	vmul.f32 $2.550000000e+02, v4;
	v5 =	vmul.f32 $2.550000000e+02, v5  }
0x90: {  	[tilespmem:s0+$0xA800] =	vst v1;
	v2 =	vsub.f32 v2, v7;
	v7 =	vcvt.s32.f32 v12;
	v8 =	vmul.f32 $2.550000000e+02, v8  }
0x91: {  	v0 =	vsub.f32 v0, v13;
	[tilespmem:s0+$0xC000] =	vst v3;
	v3 =	vtrunc.f32 v4;
	v9 =	vtrunc.f32 v5  }
0x92: {  	[tilespmem:s0+$0x9000] =	vst v2;
	v2 =	vsub.f32 v6, v7;
	v6 =	vcvt.f32.s32 v9;
	v7 =	vtrunc.f32 v8  }
0x93: {  	[tilespmem:s0+$0x9800] =	vst v0;
	v0 =	vcvt.f32.s32 v3;
	v3 =	vcvt.f32.s32 v7  }
0x94: {  	[tilespmem:s0+$0xA000] =	vst v2;
	v7 =	vadd.s32 $0x100, v1;
	v1 =	vadd.s32 $0x10000, v1;
	v2 =	vshll.u32 v6, $0x8  }
0x95: {  	[tilespmem:s0+$0xB000] =	vst v7;
	v7 =	vshll.u32 v3, $0x10;
	v2 =	vadd.s32 v0, v2;
	v0 =	vcvt.s32.f32 v0  }
0x96: {  	v6 =	vcvt.s32.f32 v6;
	[tilespmem:s0+$0xB800] =	vst v1;
	v1 =	vadd.s32 v7, v2  }
0x97: {  	v3 =	vcvt.s32.f32 v3;
	[tilespmem:s9+$0xA800] =	vst v1;
	v2 =	vadd.s32 $0x10100, v1;
	v0 =	vsub.f32 v4, v0  }
0x98: {  	[tilespmem:s9+$0xC000] =	vst v2;
	v2 =	vsub.f32 v5, v6  }
0x99: {  	[tilespmem:s9+$0x9000] =	vst v0;
	v0 =	vsub.f32 v8, v3  }
0x9a: {  	[tilespmem:s9+$0x9800] =	vst v2  }
0x9b: {  	v2 =	vadd.s32 $0x100, v1;
	[tilespmem:s9+$0xA000] =	vst v0  }
0x9c: {  	v0 =	vadd.s32 $0x10000, v1;
	[tilespmem:s9+$0xB000] =	vst v2  }
0x9d: {  	s2 =	simm.s32 $0xA800;
	[tilespmem:s9+$0xB800] =	vst v0;
	s9 =	simm.s32 $0xC800  }
0x9e: {  	[tilespmem:s9], [sflag:$0x2] =	stream.indirect.gather [hbm4b:s8+s14], $0x1, s2, s14, $0xb8;
	[tilespmem:$0xF000] =	vst v63  }
0x9f: {  	s10 =	simm.s32 $0xB000;
	s12 =	simm.s32 $0xD000  }
0xa0: {  	[tilespmem:s12], [sflag:$0x2] =	stream.indirect.gather [hbm4b:s8+s14], $0x1, s10, s14, $0xb8;
	[tilespmem:$0xF000] =	vst v63  }
0xa1: {  	s2 =	simm.s32 $0xB800;
	s9 =	simm.s32 $0xD800  }
0xa2: {  	[tilespmem:s9], [sflag:$0x2] =	stream.indirect.gather [hbm4b:s8+s14], $0x1, s2, s14, $0xb8;
	[tilespmem:$0xF000] =	vst v63  }
0xa3: {  	s10 =	simm.s32 $0xC000;
	s12 =	simm.s32 $0xE000  }
0xa4: {  	[tilespmem:s12], [sflag:$0x2] =	stream.indirect.gather [hbm4b:s8+s14], $0x1, s10, s14, $0xb8;
	[tilespmem:$0xF000] =	vst v63  }
0xa5: {  	_ =	swait.ge [sflag:s11], $0x800  }
0xa6: {  	[sflag:s11] =	ssyncset.done $0x0  }
0xa7: {  	[sflag:s11] =	ssyncadd.s32 $0xFFFFF800  }
0xa8: {  	_ =	swait.ge [sflag:s11], $0x800  }
0xa9: {  	[sflag:s11] =	ssyncset.done $0x0  }
0xaa: {  	[sflag:s11] =	ssyncadd.s32 $0xFFFFF800  }
0xab: {  	_ =	swait.ge [sflag:s11], $0x800  }
0xac: {  	[sflag:s11] =	ssyncset.done $0x0  }
0xad: {  	[sflag:s11] =	ssyncadd.s32 $0xFFFFF800  }
0xae: {  	_ =	swait.ge [sflag:s11], $0x800  }
0xaf: {  	[sflag:s11] =	ssyncset.done $0x0  }
0xb0: {  	s2 =	simm.s32 $0x0;
	[sflag:s11] =	ssyncadd.s32 $0xFFFFF800  }
0xb1: {  	v0 =	vld [tilespmem:s2+$0x5000]  }
0xb2: {  	v1 =	vld [tilespmem:s2+$0x5800]  }
0xb3: {  	v2 =	vld [tilespmem:s2+$0x6000]  }
0xb4: {  	v3 =	vld [tilespmem:s2+$0x6800];
	_ =	sdelay $0x2  }
0xb5: {  	v5 =	vld [tilespmem:s2+$0x1800];
	v4 =	vunpack.i.u.bf16.f32 v0  }
0xb6: {  	s0 =	simm.s32 $0x10;
	v0 =	vunpack.i.l.bf16.f32 v0;
	v6 =	vunpack.i.u.bf16.f32 v1;
	v1 =	vunpack.i.l.bf16.f32 v1  }
0xb7: {  	v7 =	vld [tilespmem:s0+$0x5000];
	v8 =	vunpack.i.u.bf16.f32 v2;
	v2 =	vunpack.i.l.bf16.f32 v2;
	v9 =	vunpack.i.u.bf16.f32 v3  }
0xb8: {  	v10 =	vld [tilespmem:s0+$0x5800];
	v3 =	vunpack.i.l.bf16.f32 v3;
	v4 =	vsub.f32 v4, v0;
	v6 =	vsub.f32 v6, v1  }
0xb9: {  	v11 =	vld [tilespmem:s0+$0x6000];
	v8 =	vsub.f32 v8, v2;
	v9 =	vsub.f32 v9, v3  }
0xba: {  	v4 =	vmul.f32 v4, v5;
	v6 =	vmul.f32 v6, v5  }
0xbb: {  	v12 =	vld [tilespmem:s0+$0x6800];
	v8 =	vmul.f32 v8, v5;
	v5 =	vmul.f32 v9, v5  }
0xbc: {  	v13 =	vld [tilespmem:s2+$0x2000];
	v15 =	vunpack.i.l.bf16.f32 v7;
	v0 =	vadd.f32 v4, v0;
	v1 =	vadd.f32 v6, v1  }
0xbd: {  	s9 =	simm.s32 $0x20;
	v9 =	vunpack.i.u.bf16.f32 v7;
	v7 =	vadd.f32 v8, v2;
	v2 =	vadd.f32 v5, v3  }
0xbe: {  	v16 =	vunpack.i.l.bf16.f32 v10;
	v4 =	vunpack.i.u.bf16.f32 v10;
	v5 =	vld [tilespmem:s9+$0x5000];
	v6 =	vunpack.i.u.bf16.f32 v11  }
0xbf: {  	v10 =	vld [tilespmem:s0+$0x1800];
	v8 =	vsub.f32 v1, v0;
	v1 =	vunpack.i.l.bf16.f32 v11;
	v11 =	vsub.f32 v2, v7  }
0xc0: {  	v14 =	vsub.f32 v9, v15;
	v9 =	vunpack.i.u.bf16.f32 v12;
	v3 =	vunpack.i.l.bf16.f32 v12  }
0xc1: {  	v12 =	vsub.f32 v4, v16;
	v2 =	vld [tilespmem:s9+$0x5800];
	v8 =	vmul.f32 v8, v13;
	v11 =	vmul.f32 v11, v13  }
0xc2: {  	v17 =	vsub.f32 v9, v3;
	v9 =	vld [tilespmem:s2+$0x2800];
	v13 =	vsub.f32 v6, v1  }
0xc3: {  	v4 =	vunpack.i.u.bf16.f32 v5;
	v6 =	vadd.f32 v8, v0;
	v11 =	vadd.f32 v11, v7;
	v7 =	vld [tilespmem:s9+$0x6000]  }
0xc4: {  	v18 =	vmul.f32 v12, v10;
	v0 =	vunpack.i.l.bf16.f32 v5;
	v5 =	vmul.f32 v14, v10  }
0xc5: {  	v8 =	vld [tilespmem:s9+$0x6800];
	v12 =	vmul.f32 v13, v10;
	v13 =	vmul.f32 v17, v10;
	v14 =	vsub.f32 v11, v6  }
0xc6: {  	s10 =	simm.s32 $0xC0;
	v10 =	vunpack.i.u.bf16.f32 v2;
	v11 =	vld [tilespmem:s0+$0x2000];
	v5 =	vadd.f32 v5, v15;
	v15 =	vadd.f32 v18, v16  }
.LBB2_7:
0xc7: {  	s12 =	sshra.s32 s10, $0x2;
	p0 =	sne.s32 s10, $0x1FC0;
	v12 =	vadd.f32 v12, v1;
	v3 =	vadd.f32 v13, v3;
	v9 =	vmul.f32 v14, v9  }
0xc8: {  	v16 =	vunpack.i.l.bf16.f32 v2;
	v13 =	vld [tilespmem:s12+$0x5000];
	v14 =	vunpack.i.u.bf16.f32 v7;
	v15 =	vsub.f32 v15, v5  }
0xc9: {  	v1 =	vunpack.i.l.bf16.f32 v7;
	v17 =	vld [tilespmem:s9+$0x1800];
	v7 =	vsub.f32 v3, v12;
	v6 =	vadd.f32 v9, v6  }
0xca: {  	v18 =	vsub.f32 v4, v0;
	v4 =	vunpack.i.u.bf16.f32 v8;
	v3 =	vunpack.i.l.bf16.f32 v8  }
0xcb: {  	v8 =	vsub.f32 v10, v16;
	v2 =	vld [tilespmem:s12+$0x5800];
	v10 =	vmul.f32 v15, v11;
	v11 =	vmul.f32 v7, v11;
	[tilespmem:s2+$0x7000] =	vst v6;
	s2 =	smov.u32 s0;
	s0 =	smov.u32 s9;
	s9 =	smov.u32 s12  }
.Ltmp2:
0xcc: {  	v14 =	vsub.f32 v14, v1;
	v15 =	vsub.f32 v4, v3;
	v9 =	vld [tilespmem:s2+$0x2800];
	(pc) =	sbr.rel @p0 .LBB2_7-.Ltmp2, $4  }
0xcd: {  	v4 =	vunpack.i.u.bf16.f32 v13;
	v7 =	vld [tilespmem:s9+$0x6000];
	v6 =	vadd.f32 v10, v5;
	v5 =	vadd.f32 v11, v12  }
0xce: {  	v19 =	vunpack.i.l.bf16.f32 v13;
	v18 =	vmul.f32 v18, v17;
	v20 =	vmul.f32 v8, v17  }
0xcf: {  	v12 =	vmul.f32 v14, v17;
	v13 =	vmul.f32 v15, v17;
	v8 =	vld [tilespmem:s9+$0x6800];
	v14 =	vsub.f32 v5, v6  }
0xd0: {  	s10 =	sadd.s32 $0x40, s10;
	v10 =	vunpack.i.u.bf16.f32 v2;
	v11 =	vld [tilespmem:s0+$0x2000];
	v5 =	vadd.f32 v18, v0;
	v15 =	vadd.f32 v20, v16;
	v0 =	vmovc v19  }
0xd1: {  	v1 =	vadd.f32 v12, v1;
	v3 =	vadd.f32 v13, v3;
	v9 =	vmul.f32 v14, v9  }
0xd2: {  	v2 =	vunpack.i.l.bf16.f32 v2;
	v4 =	vsub.f32 v4, v0;
	v60 =	vsub.f32 v15, v5  }
0xd3: {  	v61 =	vld [tilespmem:s9+$0x1800];
	v59 =	vunpack.i.u.bf16.f32 v7;
	v3 =	vsub.f32 v3, v1;
	v6 =	vadd.f32 v9, v6  }
0xd4: {  	v7 =	vunpack.i.l.bf16.f32 v7;
	v10 =	vsub.f32 v10, v2;
	v9 =	vunpack.i.u.bf16.f32 v8  }
0xd5: {  	v8 =	vunpack.i.l.bf16.f32 v8;
	v13 =	vmul.f32 v60, v11;
	v3 =	vmul.f32 v3, v11;
	[tilespmem:s2+$0x7000] =	vst v6  }
0xd6: {  	v6 =	vsub.f32 v59, v7;
	v9 =	vsub.f32 v9, v8;
	v11 =	vld [tilespmem:s0+$0x2800]  }
0xd7: {  	v5 =	vadd.f32 v13, v5;
	v1 =	vadd.f32 v3, v1  }
0xd8: {  	v3 =	vmul.f32 v4, v61;
	v4 =	vmul.f32 v10, v61  }
0xd9: {  	v6 =	vmul.f32 v6, v61;
	v9 =	vmul.f32 v9, v61;
	v1 =	vsub.f32 v1, v5  }
0xda: {  	v10 =	vld [tilespmem:s9+$0x2000];
	v0 =	vadd.f32 v3, v0;
	v2 =	vadd.f32 v4, v2  }
0xdb: {  	v3 =	vadd.f32 v6, v7;
	v4 =	vadd.f32 v9, v8;
	v1 =	vmul.f32 v1, v11  }
0xdc: {  	v2 =	vsub.f32 v2, v0  }
0xdd: {  	v4 =	vsub.f32 v4, v3;
	v1 =	vadd.f32 v1, v5;
	_ =	sdelay $0x1  }
0xde: {  	v2 =	vmul.f32 v2, v10;
	v4 =	vmul.f32 v4, v10;
	[tilespmem:s0+$0x7000] =	vst v1  }
0xdf: {  	v1 =	vld [tilespmem:s9+$0x2800]  }
0xe0: {  	v0 =	vadd.f32 v2, v0;
	v2 =	vadd.f32 v4, v3;
	_ =	sdelay $0x1  }
0xe1: {  	v2 =	vsub.f32 v2, v0;
	_ =	sdelay $0x1  }
0xe2: {  	v1 =	vmul.f32 v2, v1;
	_ =	sdelay $0x1  }
0xe3: {  	v0 =	vadd.f32 v1, v0  }
0xe4: {  	s10 =	simm.s32 $0x7000;
	s12 =	sadd.s32 $0x1000, s30  }
0xe5: {  	s2 =	simm.s32 $0x0;
	s0 =	sand.u32 $0xF000, s12;
	[tilespmem:s9+$0x7000] =	vst v0;
	s9 =	sadd.s32 s1, s31  }
0xe6: {  	[hbm4b:s9+s2] =	stream.linear.scatter [tilespmem:s10], [sflag:$0x3], $0x800, $0x38;
	[tilespmem:$0xF000] =	vst v63  }
0xe7: {  	s0 =	sor.u32 s6, s0;
	_ =	swait.ge [sflag:s13], $0x800  }
0xe8: {  	s0 =	sshrl.u32 s0, $0x3;
	[sflag:s13] =	ssyncset.done $0x0  }
0xe9: {  	s30 =	sadd.s32 s4, s0;
	[sflag:s13] =	ssyncadd.s32 $0xFFFFF800  }
0xea: {  	[tilespmem:s2], [sflag:$0x3] =	stream.linear.gather [hbm4b:s30+s2], $0x800, $0x38;
	[tilespmem:$0xF000] =	vst v63  }
0xeb: {  	_ =	swait.ge [sflag:s13], $0x800  }
0xec: {  	[sflag:s13] =	ssyncset.done $0x0  }
0xed: {  	s31 =	sadd.s32 s5, s0;
	[sflag:s13] =	ssyncadd.s32 $0xFFFFF800  }
0xee: {  	[tilespmem:s14], [sflag:$0x3] =	stream.linear.gather [hbm4b:s31+s2], $0x800, $0x38;
	[tilespmem:$0xF000] =	vst v63  }
0xef: {  	_ =	swait.ge [sflag:s13], $0x800  }
0xf0: {  	[sflag:s13] =	ssyncset.done $0x0  }
0xf1: {  	s0 =	sadd.s32 s7, s0;
	[sflag:s13] =	ssyncadd.s32 $0xFFFFF800  }
0xf2: {  	[tilespmem:s15], [sflag:$0x3] =	stream.linear.gather [hbm4b:s0+s2], $0x800, $0x38;
	[tilespmem:$0xF000] =	vst v63  }
0xf3: {  	_ =	swait.ge [sflag:s13], $0x800  }
0xf4: {  	[sflag:s13] =	ssyncset.done $0x0  }
0xf5: {  	s2 =	simm.s32 $0x0;
	[sflag:s13] =	ssyncadd.s32 $0xFFFFF800  }
0xf6: {  	v0 =	vld [tilespmem:s2+$0x0]  }
0xf7: {  	v1 =	vld [tilespmem:s2+$0x800]  }
0xf8: {  	v2 =	vld [tilespmem:s2+$0x1000];
	_ =	sdelay $0x3  }
0xf9: {  	v0 =	vadd.f32 $1.000000000e+00, v0;
	v1 =	vadd.f32 $1.000000000e+00, v1  }
0xfa: {  	v2 =	vadd.f32 $1.000000000e+00, v2  }
0xfb: {  	s0 =	simm.s32 $0x10;
	v0 =	vmul.f32 $5.000000000e-01, v0;
	v1 =	vmul.f32 $5.000000000e-01, v1  }
0xfc: {  	v3 =	vld [tilespmem:s0+$0x0];
	v2 =	vmul.f32 $5.000000000e-01, v2  }
0xfd: {  	v4 =	vld [tilespmem:s0+$0x800];
	v0 =	vmul.f32 $2.550000000e+02, v0;
	v5 =	vmul.f32 $2.550000000e+02, v1  }
0xfe: {  	v1 =	vmul.f32 $2.550000000e+02, v2  }
0xff: {  	v2 =	vld [tilespmem:s0+$0x1000];
	v6 =	vtrunc.f32 v0;
	v7 =	vtrunc.f32 v5  }
0x100: {  	v8 =	vtrunc.f32 v1;
	v7 =	vcvt.f32.s32 v7  }
0x101: {  	v6 =	vcvt.f32.s32 v6;
	v9 =	vcvt.f32.s32 v8  }
0x102: {  	v4 =	vadd.f32 $1.000000000e+00, v4;
	v8 =	vadd.f32 $1.000000000e+00, v3;
	v3 =	vshll.u32 v7, $0x8  }
0x103: {  	v10 =	vcvt.s32.f32 v7;
	v7 =	vshll.u32 v9, $0x10;
	v3 =	vadd.s32 v6, v3  }
0x104: {  	v2 =	vadd.f32 $1.000000000e+00, v2;
	v11 =	vcvt.s32.f32 v6;
	v3 =	vadd.s32 v7, v3  }
0x105: {  	v63 =	vmul.f32 $5.000000000e-01, v4;
	v62 =	vmul.f32 $5.000000000e-01, v8;
	[tilespmem:s2+$0x3000] =	vst v3;
	v4 =	vadd.s32 $0x10100, v3  }
0x106: {  	s9 =	simm.s32 $0x20;
	v6 =	vmul.f32 $5.000000000e-01, v2;
	v8 =	vsub.f32 v0, v11;
	v7 =	vcvt.s32.f32 v9;
	[tilespmem:s2+$0x4800] =	vst v4  }
0x107: {  	s10 =	simm.s32 $0xC0;
	v2 =	vmul.f32 $2.550000000e+02, v62;
	v0 =	vmul.f32 $2.550000000e+02, v63;
	v5 =	vsub.f32 v5, v10;
	v4 =	vld [tilespmem:s9+$0x0]  }
.LBB2_9:
0x108: {  	p0 =	sne.s32 s10, $0x1FC0;
	v9 =	vld [tilespmem:s9+$0x800];
	[tilespmem:s2+$0x1800] =	vst v8;
	v7 =	vsub.f32 v1, v7;
	v1 =	vmul.f32 $2.550000000e+02, v6;
	v6 =	vadd.s32 $0x100, v3  }
0x109: {  	v3 =	vadd.s32 $0x10000, v3;
	v8 =	vld [tilespmem:s9+$0x1000];
	v10 =	vtrunc.f32 v2;
	v11 =	vtrunc.f32 v0;
	[tilespmem:s2+$0x2000] =	vst v5  }
0x10a: {  	v5 =	vcvt.f32.s32 v11;
	v11 =	vtrunc.f32 v1;
	[tilespmem:s2+$0x2800] =	vst v7  }
0x10b: {  	v7 =	vcvt.f32.s32 v10;
	v10 =	vcvt.f32.s32 v11;
	[tilespmem:s2+$0x3800] =	vst v6  }
0x10c: {  	v4 =	vadd.f32 $1.000000000e+00, v4;
	v11 =	vcvt.s32.f32 v5;
	v5 =	vshll.u32 v5, $0x8;
	[tilespmem:s2+$0x4000] =	vst v3;
	s2 =	smov.u32 s0;
	s0 =	smov.u32 s9  }
.Ltmp3:
0x10d: {  	v6 =	vadd.f32 $1.000000000e+00, v9;
	v3 =	vshll.u32 v10, $0x10;
	v5 =	vadd.s32 v7, v5;
	(pc) =	sbr.rel @p0 .LBB2_9-.Ltmp3, $4  }
0x10e: {  	v7 =	vcvt.s32.f32 v7;
	v8 =	vadd.f32 $1.000000000e+00, v8;
	v3 =	vadd.s32 v3, v5  }
0x10f: {  	v5 =	vmul.f32 $5.000000000e-01, v4;
	v9 =	vmul.f32 $5.000000000e-01, v6;
	[tilespmem:s2+$0x3000] =	vst v3;
	v4 =	vadd.s32 $0x10100, v3  }
0x110: {  	s9 =	sshra.s32 s10, $0x2;
	v6 =	vmul.f32 $5.000000000e-01, v8;
	v8 =	vsub.f32 v2, v7;
	v7 =	vcvt.s32.f32 v10;
	[tilespmem:s2+$0x4800] =	vst v4  }
0x111: {  	s10 =	sadd.s32 $0x40, s10;
	v2 =	vmul.f32 $2.550000000e+02, v5;
	v5 =	vsub.f32 v0, v11;
	v4 =	vld [tilespmem:s9+$0x0];
	v0 =	vmul.f32 $2.550000000e+02, v9  }
0x112: {  	v9 =	vld [tilespmem:s9+$0x800];
	[tilespmem:s2+$0x1800] =	vst v8  }
0x113: {  	v6 =	vmul.f32 $2.550000000e+02, v6;
	v8 =	vld [tilespmem:s9+$0x1000]  }
0x114: {  	v1 =	vsub.f32 v1, v7;
	v7 =	vtrunc.f32 v2;
	v10 =	vtrunc.f32 v0  }
0x115: {  	v11 =	vadd.s32 $0x100, v3;
	v10 =	vcvt.f32.s32 v10;
	v12 =	vtrunc.f32 v6  }
0x116: {  	v3 =	vadd.s32 $0x10000, v3;
	v7 =	vcvt.f32.s32 v7;
	v12 =	vcvt.f32.s32 v12  }
0x117: {  	v4 =	vadd.f32 $1.000000000e+00, v4;
	v13 =	vcvt.s32.f32 v10;
	v9 =	vadd.f32 $1.000000000e+00, v9  }
0x118: {  	[tilespmem:s2+$0x2000] =	vst v5;
	v5 =	vshll.u32 v10, $0x8;
	v10 =	vshll.u32 v12, $0x10;
	v8 =	vadd.f32 $1.000000000e+00, v8  }
0x119: {  	[tilespmem:s2+$0x2800] =	vst v1;
	v1 =	vadd.s32 v7, v5;
	v4 =	vmul.f32 $5.000000000e-01, v4;
	v5 =	vmul.f32 $5.000000000e-01, v9  }
0x11a: {  	[tilespmem:s2+$0x3800] =	vst v11;
	v7 =	vcvt.s32.f32 v7;
	v1 =	vadd.s32 v10, v1;
	v8 =	vmul.f32 $5.000000000e-01, v8  }
0x11b: {  	[tilespmem:s2+$0x4000] =	vst v3;
	v3 =	vadd.s32 $0x10100, v1;
	v4 =	vmul.f32 $2.550000000e+02, v4;
	v5 =	vmul.f32 $2.550000000e+02, v5  }
0x11c: {  	[tilespmem:s0+$0x3000] =	vst v1;
	v2 =	vsub.f32 v2, v7;
	v7 =	vcvt.s32.f32 v12;
	v8 =	vmul.f32 $2.550000000e+02, v8  }
0x11d: {  	v0 =	vsub.f32 v0, v13;
	[tilespmem:s0+$0x4800] =	vst v3;
	v3 =	vtrunc.f32 v4;
	v9 =	vtrunc.f32 v5  }
0x11e: {  	[tilespmem:s0+$0x1800] =	vst v2;
	v2 =	vsub.f32 v6, v7;
	v6 =	vcvt.f32.s32 v9;
	v7 =	vtrunc.f32 v8  }
0x11f: {  	[tilespmem:s0+$0x2000] =	vst v0;
	v0 =	vcvt.f32.s32 v3;
	v3 =	vcvt.f32.s32 v7  }
0x120: {  	[tilespmem:s0+$0x2800] =	vst v2;
	v7 =	vadd.s32 $0x100, v1;
	v1 =	vadd.s32 $0x10000, v1;
	v2 =	vshll.u32 v6, $0x8  }
0x121: {  	[tilespmem:s0+$0x3800] =	vst v7;
	v7 =	vshll.u32 v3, $0x10;
	v2 =	vadd.s32 v0, v2;
	v0 =	vcvt.s32.f32 v0  }
0x122: {  	v6 =	vcvt.s32.f32 v6;
	[tilespmem:s0+$0x4000] =	vst v1;
	v1 =	vadd.s32 v7, v2  }
0x123: {  	v3 =	vcvt.s32.f32 v3;
	[tilespmem:s9+$0x3000] =	vst v1;
	v2 =	vadd.s32 $0x10100, v1;
	v0 =	vsub.f32 v4, v0  }
0x124: {  	[tilespmem:s9+$0x4800] =	vst v2;
	v2 =	vsub.f32 v5, v6  }
0x125: {  	[tilespmem:s9+$0x1800] =	vst v0;
	v0 =	vsub.f32 v8, v3  }
0x126: {  	[tilespmem:s9+$0x2000] =	vst v2  }
0x127: {  	v2 =	vadd.s32 $0x100, v1;
	[tilespmem:s9+$0x2800] =	vst v0  }
0x128: {  	v0 =	vadd.s32 $0x10000, v1;
	[tilespmem:s9+$0x3800] =	vst v2  }
0x129: {  	[tilespmem:s9+$0x4000] =	vst v0  }
0x12a: {  	[tilespmem:s17], [sflag:$0x1] =	stream.indirect.gather [hbm4b:s8+s14], $0x1, s16, s14, $0xb8;
	[tilespmem:$0xF000] =	vst v63  }
0x12b: {  	_ = 	snop  }
0x12c: {  	[tilespmem:s19], [sflag:$0x1] =	stream.indirect.gather [hbm4b:s8+s14], $0x1, s18, s14, $0xb8;
	[tilespmem:$0xF000] =	vst v63  }
0x12d: {  	_ = 	snop  }
0x12e: {  	[tilespmem:s21], [sflag:$0x1] =	stream.indirect.gather [hbm4b:s8+s14], $0x1, s20, s14, $0xb8;
	[tilespmem:$0xF000] =	vst v63  }
0x12f: {  	_ = 	snop  }
0x130: {  	[tilespmem:s23], [sflag:$0x1] =	stream.indirect.gather [hbm4b:s8+s14], $0x1, s22, s14, $0xb8;
	[tilespmem:$0xF000] =	vst v63  }
0x131: {  	_ =	swait.ge [sflag:s24], $0x800  }
0x132: {  	[sflag:s24] =	ssyncset.done $0x0  }
0x133: {  	[sflag:s24] =	ssyncadd.s32 $0xFFFFF800  }
0x134: {  	_ =	swait.ge [sflag:s24], $0x800  }
0x135: {  	[sflag:s24] =	ssyncset.done $0x0  }
0x136: {  	[sflag:s24] =	ssyncadd.s32 $0xFFFFF800  }
0x137: {  	_ =	swait.ge [sflag:s24], $0x800  }
0x138: {  	[sflag:s24] =	ssyncset.done $0x0  }
0x139: {  	[sflag:s24] =	ssyncadd.s32 $0xFFFFF800  }
0x13a: {  	_ =	swait.ge [sflag:s24], $0x800  }
0x13b: {  	[sflag:s24] =	ssyncset.done $0x0  }
0x13c: {  	s2 =	simm.s32 $0x0;
	[sflag:s24] =	ssyncadd.s32 $0xFFFFF800  }
0x13d: {  	v0 =	vld [tilespmem:s2+$0xC800]  }
0x13e: {  	v1 =	vld [tilespmem:s2+$0xD000]  }
0x13f: {  	v2 =	vld [tilespmem:s2+$0xD800]  }
0x140: {  	v3 =	vld [tilespmem:s2+$0xE000];
	_ =	sdelay $0x2  }
0x141: {  	v5 =	vld [tilespmem:s2+$0x9000];
	v4 =	vunpack.i.u.bf16.f32 v0  }
0x142: {  	s0 =	simm.s32 $0x10;
	v0 =	vunpack.i.l.bf16.f32 v0;
	v6 =	vunpack.i.u.bf16.f32 v1;
	v1 =	vunpack.i.l.bf16.f32 v1  }
0x143: {  	v7 =	vld [tilespmem:s0+$0xC800];
	v8 =	vunpack.i.u.bf16.f32 v2;
	v2 =	vunpack.i.l.bf16.f32 v2;
	v9 =	vunpack.i.u.bf16.f32 v3  }
0x144: {  	v10 =	vld [tilespmem:s0+$0xD000];
	v3 =	vunpack.i.l.bf16.f32 v3;
	v4 =	vsub.f32 v4, v0;
	v6 =	vsub.f32 v6, v1  }
0x145: {  	v11 =	vld [tilespmem:s0+$0xD800];
	v8 =	vsub.f32 v8, v2;
	v9 =	vsub.f32 v9, v3  }
0x146: {  	v4 =	vmul.f32 v4, v5;
	v6 =	vmul.f32 v6, v5  }
0x147: {  	v12 =	vld [tilespmem:s0+$0xE000];
	v8 =	vmul.f32 v8, v5;
	v5 =	vmul.f32 v9, v5  }
0x148: {  	v13 =	vld [tilespmem:s2+$0x9800];
	v15 =	vunpack.i.l.bf16.f32 v7;
	v0 =	vadd.f32 v4, v0;
	v1 =	vadd.f32 v6, v1  }
0x149: {  	s9 =	simm.s32 $0x20;
	v9 =	vunpack.i.u.bf16.f32 v7;
	v7 =	vadd.f32 v8, v2;
	v2 =	vadd.f32 v5, v3  }
0x14a: {  	v16 =	vunpack.i.l.bf16.f32 v10;
	v4 =	vunpack.i.u.bf16.f32 v10;
	v5 =	vld [tilespmem:s9+$0xC800];
	v6 =	vunpack.i.u.bf16.f32 v11  }
0x14b: {  	v10 =	vld [tilespmem:s0+$0x9000];
	v8 =	vsub.f32 v1, v0;
	v1 =	vunpack.i.l.bf16.f32 v11;
	v11 =	vsub.f32 v2, v7  }
0x14c: {  	v14 =	vsub.f32 v9, v15;
	v9 =	vunpack.i.u.bf16.f32 v12;
	v3 =	vunpack.i.l.bf16.f32 v12  }
0x14d: {  	v12 =	vsub.f32 v4, v16;
	v2 =	vld [tilespmem:s9+$0xD000];
	v8 =	vmul.f32 v8, v13;
	v11 =	vmul.f32 v11, v13  }
0x14e: {  	v17 =	vsub.f32 v9, v3;
	v9 =	vld [tilespmem:s2+$0xA000];
	v13 =	vsub.f32 v6, v1  }
0x14f: {  	v4 =	vunpack.i.u.bf16.f32 v5;
	v6 =	vadd.f32 v8, v0;
	v11 =	vadd.f32 v11, v7;
	v7 =	vld [tilespmem:s9+$0xD800]  }
0x150: {  	v18 =	vmul.f32 v12, v10;
	v0 =	vunpack.i.l.bf16.f32 v5;
	v5 =	vmul.f32 v14, v10  }
0x151: {  	v8 =	vld [tilespmem:s9+$0xE000];
	v12 =	vmul.f32 v13, v10;
	v13 =	vmul.f32 v17, v10;
	v14 =	vsub.f32 v11, v6  }
0x152: {  	s10 =	simm.s32 $0xC0;
	v10 =	vunpack.i.u.bf16.f32 v2;
	v11 =	vld [tilespmem:s0+$0x9800];
	v5 =	vadd.f32 v5, v15;
	v15 =	vadd.f32 v18, v16  }
.LBB2_11:
0x153: {  	s12 =	sshra.s32 s10, $0x2;
	p0 =	sne.s32 s10, $0x1FC0;
	v12 =	vadd.f32 v12, v1;
	v3 =	vadd.f32 v13, v3;
	v9 =	vmul.f32 v14, v9  }
0x154: {  	v16 =	vunpack.i.l.bf16.f32 v2;
	v13 =	vld [tilespmem:s12+$0xC800];
	v14 =	vunpack.i.u.bf16.f32 v7;
	v15 =	vsub.f32 v15, v5  }
0x155: {  	v1 =	vunpack.i.l.bf16.f32 v7;
	v17 =	vld [tilespmem:s9+$0x9000];
	v7 =	vsub.f32 v3, v12;
	v6 =	vadd.f32 v9, v6  }
0x156: {  	v18 =	vsub.f32 v4, v0;
	v4 =	vunpack.i.u.bf16.f32 v8;
	v3 =	vunpack.i.l.bf16.f32 v8  }
0x157: {  	v8 =	vsub.f32 v10, v16;
	v2 =	vld [tilespmem:s12+$0xD000];
	v10 =	vmul.f32 v15, v11;
	v11 =	vmul.f32 v7, v11;
	[tilespmem:s2+$0xE800] =	vst v6;
	s2 =	smov.u32 s0;
	s0 =	smov.u32 s9;
	s9 =	smov.u32 s12  }
.Ltmp4:
0x158: {  	v14 =	vsub.f32 v14, v1;
	v15 =	vsub.f32 v4, v3;
	v9 =	vld [tilespmem:s2+$0xA000];
	(pc) =	sbr.rel @p0 .LBB2_11-.Ltmp4, $4  }
0x159: {  	v4 =	vunpack.i.u.bf16.f32 v13;
	v7 =	vld [tilespmem:s9+$0xD800];
	v6 =	vadd.f32 v10, v5;
	v5 =	vadd.f32 v11, v12  }
0x15a: {  	v19 =	vunpack.i.l.bf16.f32 v13;
	v18 =	vmul.f32 v18, v17;
	v20 =	vmul.f32 v8, v17  }
0x15b: {  	v12 =	vmul.f32 v14, v17;
	v13 =	vmul.f32 v15, v17;
	v8 =	vld [tilespmem:s9+$0xE000];
	v14 =	vsub.f32 v5, v6  }
0x15c: {  	s10 =	sadd.s32 $0x40, s10;
	v10 =	vunpack.i.u.bf16.f32 v2;
	v11 =	vld [tilespmem:s0+$0x9800];
	v5 =	vadd.f32 v18, v0;
	v15 =	vadd.f32 v20, v16;
	v0 =	vmovc v19  }
0x15d: {  	v1 =	vadd.f32 v12, v1;
	v3 =	vadd.f32 v13, v3;
	v9 =	vmul.f32 v14, v9  }
0x15e: {  	v2 =	vunpack.i.l.bf16.f32 v2;
	v4 =	vsub.f32 v4, v0;
	v49 =	vsub.f32 v15, v5  }
0x15f: {  	v50 =	vld [tilespmem:s9+$0x9000];
	v48 =	vunpack.i.u.bf16.f32 v7;
	v3 =	vsub.f32 v3, v1;
	v6 =	vadd.f32 v9, v6  }
0x160: {  	v51 =	vunpack.i.l.bf16.f32 v7;
	v10 =	vsub.f32 v10, v2;
	v52 =	vunpack.i.u.bf16.f32 v8  }
0x161: {  	v53 =	vunpack.i.l.bf16.f32 v8;
	v13 =	vmul.f32 v49, v11;
	v3 =	vmul.f32 v3, v11;
	[tilespmem:s2+$0xE800] =	vst v6  }
0x162: {  	v54 =	vsub.f32 v48, v51;
	v9 =	vsub.f32 v52, v53;
	v55 =	vld [tilespmem:s0+$0xA000]  }
0x163: {  	v56 =	vadd.f32 v13, v5;
	v1 =	vadd.f32 v3, v1  }
0x164: {  	v57 =	vmul.f32 v4, v50;
	v58 =	vmul.f32 v10, v50  }
0x165: {  	v6 =	vmul.f32 v54, v50;
	v9 =	vmul.f32 v9, v50;
	v1 =	vsub.f32 v1, v56  }
0x166: {  	v59 =	vld [tilespmem:s9+$0x9800];
	v60 =	vadd.f32 v57, v0;
	v2 =	vadd.f32 v58, v2  }
0x167: {  	v61 =	vadd.f32 v6, v51;
	v62 =	vadd.f32 v9, v53;
	v1 =	vmul.f32 v1, v55  }
0x168: {  	v2 =	vsub.f32 v2, v60  }
0x169: {  	v4 =	vsub.f32 v62, v61;
	v1 =	vadd.f32 v1, v56;
	_ =	sdelay $0x1  }
0x16a: {  	v2 =	vmul.f32 v2, v59;
	v4 =	vmul.f32 v4, v59;
	[tilespmem:s0+$0xE800] =	vst v1  }
0x16b: {  	v1 =	vld [tilespmem:s9+$0xA000]  }
0x16c: {  	v0 =	vadd.f32 v2, v60;
	v63 =	vadd.f32 v4, v61;
	_ =	sdelay $0x1  }
0x16d: {  	v2 =	vsub.f32 v63, v0;
	_ =	sdelay $0x1  }
0x16e: {  	v1 =	vmul.f32 v2, v1;
	_ =	sdelay $0x1  }
0x16f: {  	s28 =	sadd.s32 $0x1, s28;
	v0 =	vadd.f32 v1, v0  }
0x170: {  	p0 =	sne.s32 s28, $0x10  }
.Ltmp5:
0x171: {  	s31 =	sadd.s32 s1, s29;
	[tilespmem:s9+$0xE800] =	vst v0;
	(pc) =	sbr.rel @p0 .LBB2_4-.Ltmp5, $4  }
0x172: {  	[hbm4b:s31+s3] =	stream.linear.scatter [tilespmem:s25], [sflag:$0x3], $0x800, $0x38;
	[tilespmem:$0xF000] =	vst v63  }
0x173: {  	_ =	swait.ge [sflag:s13], $0x800  }
0x174: {  	[sflag:s13] =	ssyncset.done $0x0  }
0x175: {  	[sflag:s13] =	ssyncadd.s32 $0xFFFFF800  }
0x176: {  	_ =	swait.ge [sflag:s11], $0x800  }
0x177: {  	[sflag:s11] =	ssyncset.done $0x0  }
0x178: {  	[sflag:s11] =	ssyncadd.s32 $0xFFFFF800  }
0x179: {  	_ =	swait.ge [sflag:s11], $0x800  }
0x17a: {  	[sflag:s11] =	ssyncset.done $0x0  }
0x17b: {  	[sflag:s11] =	ssyncadd.s32 $0xFFFFF800  }
0x17c: {  	_ =	swait.ge [sflag:s11], $0x800  }
0x17d: {  	[sflag:s11] =	ssyncset.done $0x0  }
0x17e: {  	[sflag:s11] =	ssyncadd.s32 $0xFFFFF800  }
0x17f: {  	_ =	swait.ge [sflag:s11], $0x800  }
0x180: {  	s2 =	rddreg [dreg:$0x7]  }
0x181: {  	s0 =	rddreg [dreg:$0x6];
	s2 =	sadd.s32 $0x1, s2  }
0x182: {  	p0 =	sne.s32 s2, s0  }
.Ltmp6:
0x183: {  	_ = 	snop;
	(pc) =	sbr.rel @p0 .LBB2_1-.Ltmp6, $3  }
0x184: {  	_ =	sdelay $0x1  }
0x185: {  	[sflag:s11] =	ssyncset.done $0x0  }
0x186: {  	[sflag:s11] =	ssyncadd.s32 $0xFFFFF800  }
0x187: {  	_ =	sfence.sel $0x180000  }
0x188: {  	[bflag:$0x0] =	sbarrier.arrive $0xFFFF  }
0x189: {  	_ =	strace $0x9000004A  }
0x18a: {  	s0 =	stileid.u32;
	[bflag:$0x2] =	sbarrier.arrive $0xFFFF  }
0x18b: {  	p0 =	sne.s32 s0, $0x0;
	s0 =	rddreg [dreg:$0x2]  }
0x18c: {  	s0 =	sadd.s32 @!p0 $0x100000, s0  }
0x18d: {  	[sflag:s0] =	ssyncadd.tile.s32 @!p0 $0x1;
	_ =	shalt  }
.Lfunc_end2:
_tile_overlayer_lowered:
.L_overlay_start_2:
0x18e: {  	(tag) =	ssettag $0x2  }
0x18f: {  	s0 =	rddreg [dreg:$0x0];
	s2 =	stileid.u32  }
0x190: {  	s1 =	rddreg [dreg:$0x1];
	p0 =	sne.s32 s2, $0x0  }
0x191: {  	s3 =	rddreg [dreg:$0x2];
	[bflag:$0x3] =	sbarrier.arrive $0xFFFF;
	s2 =	simm.s32 @!p0 $0x1C03  }
0x192: {  	[timem:s3], [sflag:s2] =	dma.local @!p0 [hbm:s0], s1  }
0x193: {  	s0 =	simm.s32 @!p0 $0x3  }
0x194: {  	_ =	swait.ge @!p0 [sflag:s0], s1  }
0x195: {  	s1 =	ssub.s32 @!p0 $0x0, s1;
	[sflag:s0] =	ssyncset.done @!p0 $0x0  }
0x196: {  	[sflag:s0] =	ssyncadd.s32 @!p0 s1  }
0x197: {  	[bflag:$0x3] =	sbarrier.arrive $0xFFFF  }
0x198: {  	_ =	shalt  }

// kernel: sparse-core-data-format-call.cloned.1.call-start
scs
called_computation_lowered:
.L_overlay_start_0:
0x0: {  	s1 =	sld [smem:$0x3FD9]  }
0x1: {  	s2 =	sld [smem:$0x3FFE];
	_ =	sdelay $0x1  }
0x2: {  	s3 =	srdreg.scid  }
0x3: {  	s0 =	sand.u32 $0x1, s3  }
0x4: {  	s17 =	sshll.u32 s0, $0xA;
	s1 =	sadd.s32 s2, s1  }
0x5: {  	s1 =	sadd.s32 s1, s17  }
0x6: {  	[smem:$0x3FC6] =	sst s1  }
0x7: {  	_ = 	snop  }
0x8: {  	(tm) =	ssettm $0x1  }
0x9: {  	s18 =	sld [smem:$0x3FFB];
	_ =	sdelay $0x3  }
0xa: {  	_ =	strace s18  }
0xb: {  	s1 =	sld [smem:$0x3FFC];
	_ =	sdelay $0x3  }
0xc: {  	_ =	strace s1  }
0xd: {  	s1 =	sld [smem:$0x3FFD];
	_ =	sdelay $0x3  }
0xe: {  	_ =	strace s1  }
0xf: {  	_ =	strace $0x8FFFFFFF  }
0x10: {  	s19 =	sld [smem:$0x3FDB];
	_ =	sdelay $0x1  }
0x11: {  	s20 =	simm.s32 $_scs_section_size  }
0x12: {  	s4 =	simm.s32 $_size__tile_overlayer_lowered;
	s5 =	simm.s32 $_tile_overlayer_lowered  }
0x13: {  	s23 =	simm.s32 $0x1BFF;
	s22 =	sshll.u32 s5, $0x1;
	s1 =	sadd.s32 s20, s19  }
0x14: {  	s6 =	simm.s32 $0x0;
	s21 =	sshll.u32 s4, $0x1;
	s4 =	sadd.s32 s22, s1  }
0x15: {  	[timem:s6], [sflag:s23] =	dma.local [hbm:s4], s21  }
0x16: {  	_ =	swait.ge [sflag:s23], s21  }
0x17: {  	s2 =	ssub.s32 $0x0, s21;
	[sflag:s23] =	ssyncset.done $0x0  }
0x18: {  	[sflag:s23] =	ssyncadd.s32 s2;
	_ =	sdelay $0x1  }
0x19: {  	s24 =	simm.s32 $0x1B8B  }
0x1a: {  	_ =	swait.ge [sflag:s24], $0x1  }
0x1b: {  	[sflag:s24] =	ssyncset.done $0x0  }
0x1c: {  	s26 =	simm.s32 $0x1B8E;
	s25 =	sld [smem:$0x3FFE];
	[sflag:s24] =	ssyncadd.s32 $0xFFFFFFFF  }
0x1d: {  	s27 =	simm.s32 $execute0_lowered;
	[smem:$0x3FD2] =	sst s26  }
0x1e: {  	s4 =	sshll.u32 s27, $0x1;
	_ =	strace $0x80000046;
	[dreg:$0x1] =	wrdreg $0xFFFFFFFF  }
0x1f: {  	s28 =	simm.s32 $_size_execute0_lowered;
	s1 =	sadd.s32 s1, s4;
	[dreg:$0x0] =	wrdreg $0x0  }
0x20: {  	s4 =	sshll.u32 s28, $0x1;
	[dreg:$0x2] =	wrdreg s1  }
0x21: {  	[dreg:$0x3] =	wrdreg s4  }
0x22: {  	[dreg:$0x4] =	wrdreg $0xC0  }
0x23: {  	_ =	task [dreg:s6], $0x5FFFF  }
0x24: {  	[dreg:$0x1] =	wrdreg $0xFFFFFFFF  }
0x25: {  	[dreg:$0x0] =	wrdreg $0x60  }
0x26: {  	[dreg:$0x2] =	wrdreg s25  }
0x27: {  	[dreg:$0x3] =	wrdreg $0x9  }
0x28: {  	_ =	task.clear_ibuf [dreg:s6], $0x4FFFF;
	_ =	strace $0x90000046  }
0x29: {  	s29 =	simm.s32 $0x9;
	_ =	strace $0x80000048  }
0x2a: {  	_ =	swait.ge [sflag:s29], $0x1  }
0x2b: {  	[sflag:s29] =	ssyncadd.s32 $0xFFFFFFFF  }
0x2c: {  	_ =	strace $0x90000048  }
0x2d: {  	_ =	sfence  }
0x2e: {  	s30 =	sld [smem:$0x0];
	_ =	sdelay $0x2  }
0x2f: {  	s31 =	sshll.u32 s3, $0xD;
	s3 =	sshrl.u32 s3, $0x2  }
0x30: {  	s2 =	sand.u32 $0x4000, s31;
	s1 =	sadd.s32 s3, s30  }
0x31: {  	s0 =	sor.u32 s2, s0;
	s1 =	sshll.u32 s1, $0x11  }
0x32: {  	s0 =	sor.u32 s1, s0  }
0x33: {  	s0 =	sadd.s32 $0x8F2B, s0  }
0x34: {  	[sflag:s0] =	ssyncadd.remote.s32 $0x1  }
0x35: {  	_ =	sfence.sel $0xFFFF  }
0x36: {  	[dreg:$0x0] =	wrdreg $0xFFFFFFFF;
	(pc) =	sbr.abs _section_cstart, $3  }
0x37: {  	[dreg:$0x1] =	wrdreg $0xFFFFFFFF  }
0x38: {  	_ =	task.clear_ibuf [dreg:s6], $0x2FFFF;
	_ =	strace $0x9FFFFFFF  }
0x39: {  	(tm) =	ssettm $0x7FFFFFFF  }
tec
execute0_lowered:
.L_overlay_start_1:
0x0: {  	(tag) =	ssettag $0x1  }
0x1: {  	s0 =	srdreg.scid  }
0x2: {  	s1 =	sshll.u32 s0, $0x4  }
0x3: {  	s4 =	rddreg [dreg:$0x0];
	s0 =	stileid.u32;
	s1 =	sand.u32 $0x10, s1  }
0x4: {  	s7 =	simm.s32 $0x1;
	s8 =	simm.s32 $0x2;
	s1 =	sor.u32 s0, s1  }
0x5: {  	s9 =	simm.s32 $0x0;
	s12 =	simm.s32 $0x0;
	s2 =	sshll.u32 s1, $0x4  }
0x6: {  	s11 =	simm.s32 $0x0;
	s3 =	sadd.s32 $0xC00, s4;
	s6 =	ssub.s32 $0x2000, s2  }
.Ltmp0:
0x7: {  	s4 =	sadd.s32 $0x100C00, s4;
	s5 =	sand.u32 $0x1F0, s6;
	(pc) =	sbr.rel .LBB1_1-.Ltmp0, $4  }
0x8: {  	s1 =	rddreg [dreg:$0x1];
	_ =	strace $0x80000047;
	p0 =	sne.s32 s5, $0x0  }
0x9: {  	s6 =	sshrl.u32 s6, $0x9;
	s5 =	simm.s32 $0x1;
	s7 =	simm.s32 @!p0 $0x0  }
0xa: {  	s10 =	smov.u32 s2;
	[sflag:s5] =	ssyncpa.u1 $0x0;
	s6 =	sadd.s32 s7, s6  }
0xb: {  	[sflag:s8] =	ssyncpa.u1 $0x0;
	s8 =	simm.s32 $0x0;
	s7 =	sadd.s32 $0x1, s6  }
.LBB1_7:
0xc: {  	s14 =	sadd.s32 $0x200, s10  }
0xd: {  	p1 =	sgt.s32 s14, $0x1FFF  }
0xe: {  	s14 =	smov.u32 @p1 s2;
	p1 =	sne.s32 s11, s7  }
.Ltmp1:
0xf: {  	p0 =	slt.u32 s11, $0x2;
	(pc) =	sbr.rel @!p1 .LBB1_8-.Ltmp1, $4  }
0x10: {  	s13 =	simm.s32 @!p0 $0x2  }
0x11: {  	s15 =	sadd.s32 $0x1, s11;
	_ =	swait.ge @!p0 [sflag:s13], $0x4000  }
0x12: {  	s12 =	smov.u32 s10;
	s9 =	sadd.s32 $0x8000, s9;
	[sflag:s13] =	ssyncset.done @!p0 $0x0  }
0x13: {  	s11 =	smov.u32 s15;
	s10 =	smov.u32 s14;
	[sflag:s13] =	ssyncadd.s32 @!p0 $0xFFFFC000  }
.LBB1_1:
0x14: {  	p0 =	sge.u32 s11, s6  }
0x15: {  	s13 =	sxor.u32 @!p0 $0xFFFFFFFF, s11  }
0x16: {  	s31 =	sadd.s32 $0xFFFFFFFF, s11;
	s14 =	sshll.u32 @!p0 s10, $0x7;
	s13 =	sshll.u32 @!p0 s13, $0xE  }
0x17: {  	s15 =	simm.s32 @!p0 $0x0;
	s14 =	sadd.s32 @!p0 s3, s14;
	s13 =	sand.u32 @!p0 $0x4000, s13  }
0x18: {  	[tilespmem:s13], [sflag:$0x1] =	stream.linear.gather @!p0 [hbm4b:s14+s15], $0x4000, $0x38;
	[tilespmem:$0x10000] =	vst v63  }
0x19: {  	p0 =	sge.u32 s31, s6  }
.Ltmp2:
0x1a: {  	_ = 	snop;
	(pc) =	sbr.rel @p0 .LBB1_7-.Ltmp2, $1  }
0x1b: {  	_ =	sdelay $0x3  }
0x1c: {  	s13 =	sshrl.u32 s9, $0x1;
	_ =	swait.ge [sflag:s5], $0x4000  }
0x1d: {  	s15 =	sshll.u32 s11, $0xE;
	s16 =	simm.s32 $0x0;
	s14 =	sand.u32 $0x4000, s13  }
0x1e: {  	[sflag:s5] =	ssyncset.done $0x0;
	s15 =	sand.u32 $0x4000, s15;
	s13 =	sor.u32 $0x200, s14  }
0x1f: {  	s14 =	sor.u32 $0x8080, s14;
	[sflag:s5] =	ssyncadd.s32 $0xFFFFC000;
	s15 =	sor.u32 $0x8000, s15  }
.LBB1_3:
0x20: {  	v0 =	vld [tilespmem:s13+$0xFFFFFE70]  }
0x21: {  	v1 =	vld [tilespmem:s13+$0x70]  }
0x22: {  	v2 =	vld [tilespmem:s13+$0x0]  }
0x23: {  	v3 =	vld [tilespmem:s13+$0xFFFFFE10]  }
0x24: {  	v4 =	vld [tilespmem:s13+$0x10]  }
0x25: {  	v5 =	vld [tilespmem:s13+$0xFFFFFE20]  }
0x26: {  	v7 =	vld [tilespmem:s13+$0x20]  }
0x27: {  	v11 =	vld [tilespmem:s13+$0x30];
	v6 =	vunpack.i.l.s16.s32 v0;
	v8 =	vunpack.i.u.s16.s32 v0;
	v9 =	vunpack.i.u.s16.s32 v1  }
0x28: {  	v10 =	vunpack.i.l.s16.s32 v1;
	v0 =	vunpack.i.u.s16.s32 v2;
	v1 =	vunpack.i.l.s16.s32 v2;
	v2 =	vld [tilespmem:s13+$0xFFFFFE30]  }
0x29: {  	v8 =	vpack.i.b32.b16 v9, v8;
	v9 =	vunpack.i.u.s16.s32 v3;
	v3 =	vunpack.i.l.s16.s32 v3  }
0x2a: {  	v12 =	vld [tilespmem:s13+$0xFFFFFE40];
	v6 =	vpack.i.b32.b16 v10, v6;
	[tilespmem:s14+$0x70] =	vst v8;
	v8 =	vunpack.i.u.s16.s32 v4;
	v4 =	vunpack.i.l.s16.s32 v4  }
0x2b: {  	v13 =	vld [tilespmem:s13+$0x40];
	v10 =	vunpack.i.u.s16.s32 v5;
	v5 =	vunpack.i.l.s16.s32 v5;
	[tilespmem:s14+$0xFFFFFFF0] =	vst v6;
	v3 =	vpack.i.b32.b16 v4, v3  }
0x2c: {  	v6 =	vunpack.i.l.s16.s32 v7;
	v4 =	vld [tilespmem:s13+$0xFFFFFE50];
	[tilespmem:s14+$0xFFFFFF90] =	vst v3;
	v3 =	vpack.i.b32.b16 v8, v9;
	v8 =	vunpack.i.u.s16.s32 v7  }
0x2d: {  	v7 =	vunpack.i.l.s16.s32 v11;
	[tilespmem:s14+$0x10] =	vst v3;
	v3 =	vpack.i.b32.b16 v6, v5;
	v9 =	vunpack.i.u.s16.s32 v2;
	v6 =	vld [tilespmem:s13+$0x50]  }
0x2e: {  	v5 =	vunpack.i.l.s16.s32 v2;
	v2 =	vld [tilespmem:s13+$0xFFFFFE60];
	[tilespmem:s14+$0xFFFFFFA0] =	vst v3;
	v3 =	vpack.i.b32.b16 v8, v10;
	v10 =	vunpack.i.u.s16.s32 v11  }
0x2f: {  	s19 =	simm.s32 $0x0;
	v11 =	vpack.i.b32.b16 v7, v5;
	v7 =	vunpack.i.u.s16.s32 v12;
	v8 =	vunpack.i.l.s16.s32 v12;
	[tilespmem:s14+$0x20] =	vst v3;
	v3 =	vld [tilespmem:s13+$0x60]  }
0x30: {  	s20 =	sadd.s32 $0x80, s13;
	s18 =	smov.u32 s14;
	s17 =	smov.u32 s14;
	v5 =	vld [tilespmem:s13+$0xFFFFFE00];
	[tilespmem:s14+$0xFFFFFFB0] =	vst v11;
	v10 =	vpack.i.b32.b16 v10, v9;
	v9 =	vunpack.i.u.s16.s32 v13;
	v11 =	vunpack.i.l.s16.s32 v13  }
.LBB1_4:
0x31: {  	v12 =	vld [tilespmem:s20+$0xFFFFFE70];
	[tilespmem:s18+$0x30] =	vst v10;
	v8 =	vpack.i.b32.b16 v11, v8;
	v10 =	vunpack.i.u.s16.s32 v4;
	v4 =	vunpack.i.l.s16.s32 v4  }
0x32: {  	s19 =	sadd.s32 $0x2, s19;
	v7 =	vpack.i.b32.b16 v9, v7;
	v11 =	vld [tilespmem:s20+$0x70];
	[tilespmem:s18+$0xFFFFFFC0] =	vst v8;
	v8 =	vunpack.i.u.s16.s32 v6;
	v6 =	vunpack.i.l.s16.s32 v6  }
0x33: {  	p0 =	slt.u32 s19, $0x6;
	v9 =	vld [tilespmem:s20+$0x0];
	[tilespmem:s18+$0x40] =	vst v7;
	v4 =	vpack.i.b32.b16 v6, v4;
	v6 =	vunpack.i.u.s16.s32 v2;
	v2 =	vunpack.i.l.s16.s32 v2  }
0x34: {  	v7 =	vld [tilespmem:s20+$0xFFFFFE10];
	[tilespmem:s18+$0xFFFFFFD0] =	vst v4;
	v4 =	vpack.i.b32.b16 v8, v10;
	v8 =	vunpack.i.u.s16.s32 v3;
	v3 =	vunpack.i.l.s16.s32 v3  }
0x35: {  	v10 =	vld [tilespmem:s20+$0x10];
	v13 =	vunpack.i.u.s16.s32 v5;
	v5 =	vunpack.i.l.s16.s32 v5;
	[tilespmem:s18+$0x50] =	vst v4;
	v2 =	vpack.i.b32.b16 v3, v2  }
0x36: {  	v3 =	vld [tilespmem:s20+$0xFFFFFE20];
	v4 =	vunpack.i.l.s16.s32 v12;
	v1 =	vpack.i.b32.b16 v1, v5;
	v5 =	vpack.i.b32.b16 v0, v13;
	[tilespmem:s18+$0xFFFFFFE0] =	vst v2  }
0x37: {  	v12 =	vunpack.i.u.s16.s32 v12;
	v2 =	vld [tilespmem:s20+$0x20];
	v13 =	vunpack.i.u.s16.s32 v11;
	v11 =	vunpack.i.l.s16.s32 v11;
	[tilespmem:s18+$0xFFFFFF80] =	vst v1  }
0x38: {  	s18 =	sadd.s32 $0x100, s18;
	v0 =	vunpack.i.u.s16.s32 v9;
	v1 =	vunpack.i.l.s16.s32 v9;
	v9 =	vld [tilespmem:s20+$0xFFFFFE30];
	v12 =	vpack.i.b32.b16 v13, v12;
	[tilespmem:s17+$0x0] =	vst v5  }
0x39: {  	v6 =	vpack.i.b32.b16 v8, v6;
	v5 =	vunpack.i.u.s16.s32 v7;
	v7 =	vunpack.i.l.s16.s32 v7;
	v13 =	vld [tilespmem:s20+$0x30];
	[tilespmem:s18+$0x70] =	vst v12  }
0x3a: {  	v4 =	vpack.i.b32.b16 v11, v4;
	v8 =	vunpack.i.u.s16.s32 v10;
	v10 =	vunpack.i.l.s16.s32 v10;
	v12 =	vld [tilespmem:s20+$0xFFFFFE40];
	[tilespmem:s17+$0x60] =	vst v6;
	s17 =	smov.u32 s18  }
0x3b: {  	v6 =	vpack.i.b32.b16 v10, v7;
	v7 =	vunpack.i.u.s16.s32 v3;
	v3 =	vunpack.i.l.s16.s32 v3;
	v11 =	vld [tilespmem:s20+$0x40];
	[tilespmem:s18+$0xFFFFFFF0] =	vst v4  }
.Ltmp3:
0x3c: {  	v5 =	vpack.i.b32.b16 v8, v5;
	[tilespmem:s18+$0xFFFFFF90] =	vst v6;
	v8 =	vunpack.i.u.s16.s32 v2;
	v2 =	vunpack.i.l.s16.s32 v2;
	v4 =	vld [tilespmem:s20+$0xFFFFFE50];
	(pc) =	sbr.rel @p0 .LBB1_4-.Ltmp3, $4  }
0x3d: {  	[tilespmem:s18+$0x10] =	vst v5;
	v2 =	vpack.i.b32.b16 v2, v3;
	v10 =	vunpack.i.u.s16.s32 v9;
	v3 =	vunpack.i.l.s16.s32 v9;
	v6 =	vld [tilespmem:s20+$0x50]  }
0x3e: {  	v5 =	vpack.i.b32.b16 v8, v7;
	[tilespmem:s18+$0xFFFFFFA0] =	vst v2;
	v9 =	vunpack.i.u.s16.s32 v13;
	v7 =	vunpack.i.l.s16.s32 v13;
	v2 =	vld [tilespmem:s20+$0xFFFFFE60]  }
0x3f: {  	[tilespmem:s18+$0x20] =	vst v5;
	v13 =	vpack.i.b32.b16 v7, v3;
	v7 =	vunpack.i.u.s16.s32 v12;
	v8 =	vunpack.i.l.s16.s32 v12;
	v3 =	vld [tilespmem:s20+$0x60]  }
0x40: {  	v10 =	vpack.i.b32.b16 v9, v10;
	v5 =	vld [tilespmem:s20+$0xFFFFFE00];
	[tilespmem:s18+$0xFFFFFFB0] =	vst v13;
	v9 =	vunpack.i.u.s16.s32 v11;
	v11 =	vunpack.i.l.s16.s32 v11;
	s20 =	sadd.s32 $0x80, s20  }
0x41: {  	[tilespmem:s18+$0x30] =	vst v10;
	v8 =	vpack.i.b32.b16 v11, v8  }
0x42: {  	v51 =	vunpack.i.l.s16.s32 v4;
	v7 =	vpack.i.b32.b16 v9, v7;
	[tilespmem:s18+$0xFFFFFFC0] =	vst v8;
	v52 =	vunpack.i.l.s16.s32 v6  }
0x43: {  	v53 =	vunpack.i.u.s16.s32 v4;
	s16 =	sadd.s32 $0x1, s16;
	v54 =	vunpack.i.u.s16.s32 v6;
	[tilespmem:s18+$0x40] =	vst v7;
	v55 =	vpack.i.b32.b16 v52, v51  }
0x44: {  	p0 =	sne.s32 s16, $0x10;
	v56 =	vunpack.i.l.s16.s32 v2;
	v4 =	vpack.i.b32.b16 v54, v53;
	[tilespmem:s18+$0xFFFFFFD0] =	vst v55;
	v57 =	vunpack.i.l.s16.s32 v3  }
.Ltmp4:
0x45: {  	[tilespmem:s18+$0x50] =	vst v4;
	v58 =	vunpack.i.l.s16.s32 v5;
	v59 =	vpack.i.b32.b16 v57, v56;
	(pc) =	sbr.rel @p0 .LBB1_3-.Ltmp4, $4  }
0x46: {  	v61 =	vunpack.i.u.s16.s32 v2;
	v62 =	vunpack.i.u.s16.s32 v3;
	v1 =	vpack.i.b32.b16 v1, v58;
	[tilespmem:s18+$0xFFFFFFE0] =	vst v59  }
0x47: {  	v60 =	vunpack.i.u.s16.s32 v5;
	v63 =	vpack.i.b32.b16 v62, v61;
	[tilespmem:s18+$0xFFFFFF80] =	vst v1  }
0x48: {  	v0 =	vpack.i.b32.b16 v0, v60;
	[tilespmem:s17+$0x60] =	vst v63  }
0x49: {  	s13 =	sadd.s32 $0x400, s13;
	s14 =	sadd.s32 $0x400, s14;
	[tilespmem:s17+$0x0] =	vst v0  }
.Ltmp5:
0x4a: {  	(pc) =	sbr.rel .LBB1_7-.Ltmp5, $4  }
0x4b: {  	_ = 	snop  }
0x4c: {  	s12 =	sshll.u32 s12, $0x7  }
0x4d: {  	s12 =	sadd.s32 s4, s12  }
0x4e: {  	[hbm4b:s12+s8] =	stream.linear.scatter [tilespmem:s15], [sflag:$0x2], $0x4000, $0x38;
	[tilespmem:$0x10000] =	vst v63  }
.LBB1_8:
0x4f: {  	_ =	sfence.sel $0x180000  }
0x50: {  	s2 =	simm.s32 $0x1;
	[bflag:$0x0] =	sbarrier.arrive $0xFFFF  }
0x51: {  	s31 =	simm.s32 $0x2;
	[sflag:s2] =	ssyncpa.u1 $0x1  }
0x52: {  	[sflag:s31] =	ssyncpa.u1 $0x1  }
0x53: {  	p0 =	sne.s32 s0, $0x0;
	_ =	strace $0x90000047  }
0x54: {  	s0 =	sadd.s32 @!p0 $0x100000, s1;
	[bflag:$0x2] =	sbarrier.arrive $0xFFFF  }
0x55: {  	[sflag:s0] =	ssyncadd.tile.s32 @!p0 $0x1;
	_ =	shalt  }
.Lfunc_end1:
_tile_overlayer_lowered:
.L_overlay_start_2:
0x56: {  	(tag) =	ssettag $0x2  }
0x57: {  	s0 =	rddreg [dreg:$0x0];
	s2 =	stileid.u32  }
0x58: {  	s1 =	rddreg [dreg:$0x1];
	p0 =	sne.s32 s2, $0x0  }
0x59: {  	s3 =	rddreg [dreg:$0x2];
	[bflag:$0x3] =	sbarrier.arrive $0xFFFF;
	s2 =	simm.s32 @!p0 $0x1C01  }
0x5a: {  	[timem:s3], [sflag:s2] =	dma.local @!p0 [hbm:s0], s1  }
0x5b: {  	s0 =	simm.s32 @!p0 $0x1  }
0x5c: {  	_ =	swait.ge @!p0 [sflag:s0], s1  }
0x5d: {  	s1 =	ssub.s32 @!p0 $0x0, s1;
	[sflag:s0] =	ssyncset.done @!p0 $0x0  }
0x5e: {  	[sflag:s0] =	ssyncadd.s32 @!p0 s1  }
0x5f: {  	[bflag:$0x3] =	sbarrier.arrive $0xFFFF  }
0x60: {  	_ =	shalt  }

</sc_bundles>
